<compile_context>
chip_gen: v7x
topology: tpu7x:2x2x1
jax: 0.10.2.dev20260603
libtpu: 0.0.44.dev20260713+nightly
codegen_flags: <defaults>
</compile_context>

<pallas_src>
import functools

import jax
import jax.numpy as jnp
import numpy as np
from jax import lax
from jax.experimental import pallas as pl
from jax.experimental.pallas import tpu as pltpu
from jax.experimental.pallas import tpu_sc as plsc

NM = 64
B = 16384
H = 64
FI = 6
FO = 3
FP = 16
BLK = 256
CAP = B + NM * BLK
NBLK = CAP // BLK
RB = 512
SR = 8
RBLK = SR * RB
NB = B // RBLK
NW = 32
CHUNK = B // NW



def _onehot(sel):
    selc = jnp.minimum(jnp.maximum(sel, 0), NM - 1)
    m_iota = lax.broadcasted_iota(jnp.int32, (NM, SR, RB), 0)
    return (m_iota == selc[None]).astype(jnp.float32)


def _hist_body(x0_ref, x2_ref, sel_ref, po_ref, be_ref, cnt0):
    j = pl.program_id(0)
    f32 = jnp.float32

    ang = jnp.arctan2(x2_ref[0], x0_ref[0])
    ang = jnp.fmod(ang + 2 * np.pi, 2 * np.pi) / (2 * np.pi) * NM
    sel = jnp.floor(ang).astype(jnp.int32)
    sel_ref[0] = sel

    onehot = _onehot(sel)
    rs = jnp.sum(jnp.sum(onehot, axis=2), axis=1, keepdims=True)

    @pl.when(j == 0)
    def _init():
        cnt0[...] = jnp.zeros((NM, 128), f32)

    cnt0[...] += jnp.broadcast_to(rs, (NM, 128))

    @pl.when(j == NB - 1)
    def _finish():
        c = cnt0[...]
        pc = jnp.ceil(c / BLK) * BLK
        ii = lax.broadcasted_iota(jnp.int32, (NM, NM), 0)
        jj = lax.broadcasted_iota(jnp.int32, (NM, NM), 1)
        tri = (jj < ii).astype(f32)
        po = jnp.dot(tri, pc, preferred_element_type=f32)
        po_ref[...] = po
        pe = po + pc
        jl = lax.broadcasted_iota(jnp.int32, (NM, 128), 1).astype(f32) * float(BLK)
        mask = (po <= jl) & (jl < pe)
        mvals = lax.broadcasted_iota(jnp.int32, (NM, 128), 0).astype(f32)
        be = jnp.sum(jnp.where(mask, mvals, 0.0), axis=0, keepdims=True)
        nact = jnp.ceil(pe[NM - 1:NM, 0:1] / float(CH * BLK))
        rr = lax.broadcasted_iota(jnp.int32, (8, 128), 0)
        ll = lax.broadcasted_iota(jnp.int32, (8, 128), 1)
        be_ref[...] = jnp.where(
            rr == 0, jnp.broadcast_to(be, (8, 128)),
            jnp.where((rr == 1) & (ll == 0),
                      jnp.broadcast_to(nact, (8, 128)),
                      0.0)).astype(jnp.int32)


def _dest_body(sel_ref, po_ref, dest_ref, cnt1):
    j = pl.program_id(0)
    f32 = jnp.float32

    @pl.when(j == 0)
    def _init():
        cnt1[...] = jnp.zeros((NM, 128), f32)

    sel = sel_ref[0]
    onehot = _onehot(sel)
    rs_sub = jnp.sum(onehot, axis=2)
    rs = jnp.sum(rs_sub, axis=1, keepdims=True)
    r1 = lax.broadcasted_iota(jnp.int32, (SR, SR), 0)
    r2 = lax.broadcasted_iota(jnp.int32, (SR, SR), 1)
    t8 = (r1 < r2).astype(f32)
    sub_pre = jnp.dot(rs_sub, t8, preferred_element_type=f32)
    ii = lax.broadcasted_iota(jnp.int32, (RB, RB), 0)
    jj = lax.broadcasted_iota(jnp.int32, (RB, RB), 1)
    tri = (ii < jj).astype(f32)
    oh2 = onehot.reshape(NM * SR, RB)
    csum = jnp.dot(oh2, tri, preferred_element_type=f32).reshape(NM, SR, RB)
    add = po_ref[:, 0:1] + cnt1[...][:, 0:1]
    base = (add + sub_pre)[:, :, None]
    destf = jnp.sum(onehot * (csum + base), axis=0)
    desti = destf.astype(jnp.int32)
    for q in range(4):
        dest_ref[:, q, :] = desti[:, q * 128:(q + 1) * 128]
    cnt1[...] += jnp.broadcast_to(rs, (NM, 128))


def _route(inputs):
    f32 = jnp.float32
    x0r = inputs[:, 0].reshape(NB, SR, RB)
    x2r = inputs[:, 2].reshape(NB, SR, RB)
    spec = pl.BlockSpec((1, SR, RB), lambda j: (j, 0, 0))
    cspec = lambda r: pl.BlockSpec((r, 128), lambda j: (0, 0))
    sel3, po, be2 = pl.pallas_call(
        _hist_body,
        grid=(NB,),
        in_specs=[spec, spec],
        out_specs=[spec, cspec(NM), cspec(8)],
        out_shape=[
            jax.ShapeDtypeStruct((NB, SR, RB), jnp.int32),
            jax.ShapeDtypeStruct((NM, 128), f32),
            jax.ShapeDtypeStruct((8, 128), jnp.int32),
        ],
        scratch_shapes=[pltpu.VMEM((NM, 128), f32)],
    )(x0r, x2r)
    dest3 = pl.pallas_call(
        _dest_body,
        grid=(NB,),
        in_specs=[spec, cspec(NM)],
        out_specs=pl.BlockSpec((SR, 4, 128), lambda j: (j, 0, 0)),
        out_shape=jax.ShapeDtypeStruct((NW, 4, 128), jnp.int32),
        scratch_shapes=[pltpu.VMEM((NM, 128), f32)],
    )(sel3, po)
    return sel3.reshape(B), dest3, be2[0], be2[1, 0:1]



@functools.cache
def _sc_kernels():
    mesh = plsc.VectorSubcoreMesh(core_axis_name="c", subcore_axis_name="s")
    scratch = [
        pltpu.VMEM((4, 128), jnp.int32),
        pltpu.VMEM((CHUNK, FP), jnp.float32),
        pltpu.SemaphoreType.DMA,
        pltpu.SemaphoreType.DMA,
        pltpu.SemaphoreType.DMA,
    ]

    cparams = pltpu.CompilerParams(use_tc_tiling_on_sc=False)

    @functools.partial(
        pl.kernel, mesh=mesh,
        out_type=jax.ShapeDtypeStruct((CAP, FP), jnp.float32),
        scratch_types=scratch,
        compiler_params=cparams,
    )
    def scatter_k(x_hbm, idx_hbm, out_hbm, idx_v, rows_v, sem_a, sem_b,
                  sem_c):
        wid = lax.axis_index("s") * 2 + lax.axis_index("c")
        base = wid * CHUNK
        cp_i = pltpu.async_copy(idx_hbm.at[wid], idx_v, sem_a)
        cp_x = pltpu.async_copy(x_hbm.at[pl.ds(base, CHUNK)], rows_v, sem_b)
        cp_i.wait()
        cp_x.wait()
        cps = [pltpu.async_copy(rows_v.at[pl.ds(j * 128, 128)],
                                out_hbm.at[idx_v.at[j]], sem_c)
               for j in range(4)]
        for cp in cps:
            cp.wait()

    @functools.partial(
        pl.kernel, mesh=mesh,
        out_type=jax.ShapeDtypeStruct((B, FP), jnp.float32),
        scratch_types=scratch,
        compiler_params=cparams,
    )
    def gather_k(ys_hbm, idx_hbm, out_hbm, idx_v, rows_v, sem_a, sem_b,
                 sem_c):
        wid = lax.axis_index("s") * 2 + lax.axis_index("c")
        base = wid * CHUNK
        pltpu.async_copy(idx_hbm.at[wid], idx_v, sem_a).wait()
        cps = [pltpu.async_copy(ys_hbm.at[idx_v.at[j]],
                                rows_v.at[pl.ds(j * 128, 128)], sem_b)
               for j in range(4)]
        for cp in cps:
            cp.wait()
        pltpu.sync_copy(rows_v, out_hbm.at[pl.ds(base, CHUNK)])

    return scatter_k, gather_k


def _scatter_rows(xp, dest3):
    return _sc_kernels()[0](xp, dest3)


def _gather_rows(ys, dest3):
    return _sc_kernels()[1](ys, dest3)



CH = 4


def _mlp_body(be_s, nact_s, *refs):
    f32 = jnp.float32
    i = pl.program_id(0)
    xs_ref = refs[0]
    out_ref = refs[1 + 10 * CH]
    w0bd, w1bd, w2bd, w3bd, w4bd = refs[2 + 10 * CH:]
    chains = [refs[1 + 10 * k:11 + 10 * k] for k in range(CH)]

    @pl.when(i == 0)
    def _zero():
        w0bd[...] = jnp.zeros((CH * FP, CH * H), f32)
        w1bd[...] = jnp.zeros((CH * H, CH * H), f32)
        w2bd[...] = jnp.zeros((CH * H, CH * H), f32)
        w3bd[...] = jnp.zeros((CH * H, CH * H), f32)
        w4bd[...] = jnp.zeros((CH * H, CH * FP), f32)

    @pl.when(i < nact_s[0])
    def _active():
        for k, (w0, b0, w1, b1, w2, b2, w3, b3, w4, b4) in enumerate(chains):
            w0bd[pl.ds(k * FP, FP), pl.ds(k * H, H)] = w0[0]
            w1bd[pl.ds(k * H, H), pl.ds(k * H, H)] = w1[0]
            w2bd[pl.ds(k * H, H), pl.ds(k * H, H)] = w2[0]
            w3bd[pl.ds(k * H, H), pl.ds(k * H, H)] = w3[0]
            w4bd[pl.ds(k * H, H), pl.ds(k * FP, FP)] = w4[0]

        x0 = jnp.concatenate(
            [xs_ref[pl.ds(k * BLK, BLK), :] for k in range(CH)], axis=1)
        bcat = lambda idx: jnp.concatenate([c[idx][0] for c in chains],
                                           axis=1)
        dt = lambda a, w: lax.dot_general(
            a, w, dimension_numbers=(((1,), (1,)), ((), ())),
            preferred_element_type=f32)
        y = jnp.maximum(jnp.dot(x0, w0bd[...], preferred_element_type=f32)
                        + bcat(1), 0.0)
        y = jnp.maximum(dt(y, w1bd[...]) + bcat(3), 0.0)
        y = jnp.maximum(dt(y, w2bd[...]) + bcat(5), 0.0)
        y = jnp.maximum(dt(y, w3bd[...]) + bcat(7), 0.0)
        y4 = jnp.dot(y, w4bd[...], preferred_element_type=f32) + bcat(9)
        for k in range(CH):
            out_ref[pl.ds(k * BLK, BLK), :] = y4[:, k * FP:(k + 1) * FP]


def _expert_mlp(xs, be, nact, w0t, b0r, w1t, b1r, w2t, b2r, w3t, b3r,
                w4t, b4r):
    f32 = jnp.float32

    def wspec(r, c, k):
        return pl.BlockSpec((1, r, c),
                            lambda i, be_s, na, k=k: (be_s[CH * i + k], 0, 0))

    def bspec(c, k):
        return pl.BlockSpec((1, 1, c),
                            lambda i, be_s, na, k=k: (be_s[CH * i + k], 0, 0))

    in_specs = [pl.BlockSpec((CH * BLK, FP), lambda i, be_s, na: (i, 0))]
    for k in range(CH):
        in_specs += [
            wspec(FP, H, k), bspec(H, k),
            wspec(H, H, k), bspec(H, k),
            wspec(H, H, k), bspec(H, k),
            wspec(H, H, k), bspec(H, k),
            wspec(H, FP, k), bspec(FP, k),
        ]
    grid_spec = pltpu.PrefetchScalarGridSpec(
        num_scalar_prefetch=2,
        grid=(NBLK // CH,),
        in_specs=in_specs,
        out_specs=pl.BlockSpec((CH * BLK, FP), lambda i, be_s, na: (i, 0)),
        scratch_shapes=[
            pltpu.VMEM((CH * FP, CH * H), f32),
            pltpu.VMEM((CH * H, CH * H), f32),
            pltpu.VMEM((CH * H, CH * H), f32),
            pltpu.VMEM((CH * H, CH * H), f32),
            pltpu.VMEM((CH * H, CH * FP), f32),
        ],
    )
    ws = (w0t, b0r, w1t, b1r, w2t, b2r, w3t, b3r, w4t, b4r)
    return pl.pallas_call(
        _mlp_body,
        grid_spec=grid_spec,
        out_shape=jax.ShapeDtypeStruct((CAP, FP), f32),
    )(be, nact, xs, *(ws * CH))


def kernel(inputs, W0, b0, W1, b1, W2, b2, W3, b3, W4, b4):
    f32 = jnp.float32
    xp = jnp.zeros((B, FP), f32).at[:, :FI].set(inputs)
    w0t = jnp.zeros((NM, FP, H), f32).at[:, :FI, :].set(
        jnp.transpose(W0, (0, 2, 1)))
    w4t = jnp.zeros((NM, H, FP), f32).at[:, :, :FO].set(
        jnp.transpose(W4, (0, 2, 1)))
    b4p = jnp.zeros((NM, FP), f32).at[:, :FO].set(b4)
    b0r, b1r, b2r, b3r = (b[:, None, :] for b in (b0, b1, b2, b3))
    b4r = b4p[:, None, :]

    sel, dest3, be, nact = _route(inputs)
    xs = _scatter_rows(xp, dest3)
    ys = _expert_mlp(xs, be, nact, w0t, b0r, W1, b1r, W2, b2r, W3, b3r,
                     w4t, b4r)
    out = _gather_rows(ys, dest3)

    model_output = out[:, :FO]
    top_outputs = model_output[:, None, :]
    selection_logits = jnp.ones((B, NM), f32)
    selection_probabilities = jnp.full((B, NM), 1.0 / NM, f32)
    return (model_output, top_outputs, sel,
            selection_logits, selection_probabilities)

# --- scband reference (transcript-rebuilt; emitter-appended) ---
"""Pipeline reference for scband-multi-model-mlp-44152263803448 (READ-ONLY COPY).

The authoritative reference and input builder live on the scoring server;
editing this copy changes nothing except your own understanding.
"""

import jax, jax.numpy as jnp
import numpy as np

NUM_MODELS = 64
IN_FEATURES = 6
HIDDEN = 64
OUT_FEATURES = 3
LAYERS = 5
BATCH = 16384


def setup_inputs(seed: int = 0) -> dict:
    key = jax.random.key(seed)
    ks = jax.random.split(key, 11)
    sqrt_k = float(np.sqrt(1.0 / NUM_MODELS))
    inp = {}
    inp["inputs"] = jax.random.normal(ks[0], (BATCH, IN_FEATURES), dtype=jnp.float32)
    dims = [(IN_FEATURES, HIDDEN), (HIDDEN, HIDDEN), (HIDDEN, HIDDEN), (HIDDEN, HIDDEN), (HIDDEN, OUT_FEATURES)]
    for i, (fi, fo) in enumerate(dims):
        inp[f"W{i}"] = jax.random.uniform(ks[1 + 2 * i], (NUM_MODELS, fo, fi), minval=-sqrt_k, maxval=sqrt_k, dtype=jnp.float32)
        inp[f"b{i}"] = jax.random.uniform(ks[2 + 2 * i], (NUM_MODELS, fo), minval=-sqrt_k, maxval=sqrt_k, dtype=jnp.float32)
    return inp


def reference(inputs, W0, b0, W1, b1, W2, b2, W3, b3, W4, b4):
    # selection_mode == 'angle'
    angles = jnp.arctan2(inputs[:, 2], inputs[:, 0])
    angles = jnp.fmod(angles + 2 * np.pi, 2 * np.pi) / (2 * np.pi) * NUM_MODELS
    angles = jnp.floor(angles)
    selection_indices = angles.astype(jnp.int32)
    selection_logits = jnp.ones((inputs.shape[0], NUM_MODELS), dtype=inputs.dtype)
    selection_probabilities = jax.nn.softmax(selection_logits, axis=1)

    Ws = [W0, W1, W2, W3, W4]
    bs = [b0, b1, b2, b3, b4]
    # num_top_outputs == 1 -> single expert path
    x = inputs
    for i in range(LAYERS):
        w = jnp.take(Ws[i], selection_indices, axis=0)  # (B, out, in) gather
        b = jnp.take(bs[i], selection_indices, axis=0)  # (B, out) gather
        x = jnp.einsum('boi,bi->bo', w, x) + b  # torch.matmul(weights, inputs[:, :, None])[:, :, 0] + biases
        if i < LAYERS - 1:
            x = jax.nn.relu(x)
    top_outputs = x[:, None, :]  # stack over num_top_outputs=1
    model_output = x
    return (model_output, top_outputs, selection_indices, selection_logits, selection_probabilities)

if __name__ == "__main__":
    import jax
    _d = setup_inputs()
    print(jax.jit(kernel)(*tuple(_d.values())))

</pallas_src>

<mosaic_0001>
#map = affine_map<(d0, d1) -> (0, 0)>
#map1 = affine_map<(d0, d1) -> (0, 0, 0)>
module attributes {stable_mosaic.version = 14 : i64} {
  func.func @scatter_k(%arg0: i32, %arg1: i32, %arg2: memref<16384x16xf32, #tpu.memory_space<hbm>>, %arg3: memref<32x4x128xi32, #tpu.memory_space<hbm>>, %arg4: memref<32768x16xf32, #tpu.memory_space<hbm>>, %arg5: memref<4x128xi32, #tpu.memory_space<vmem>>, %arg6: memref<512x16xf32, #tpu.memory_space<vmem>>, %arg7: memref<!tpu.dma_semaphore, #tpu.memory_space<semaphore_mem>>, %arg8: memref<!tpu.dma_semaphore, #tpu.memory_space<semaphore_mem>>, %arg9: memref<!tpu.dma_semaphore, #tpu.memory_space<semaphore_mem>>) attributes {dimension_semantics = [#tpu.dimension_semantics<core_parallel>, #tpu.dimension_semantics<subcore_parallel>], iteration_bounds = array<i64: 2, 16>, scalar_prefetch = 0 : i64, scratch_operands = 5 : i64, tpu.core_type = #tpu.core_type<sc_vector_subcore>, window_params = [{transform_indices = #map}, {transform_indices = #map1}, {transform_indices = #map}]} {
    %mul3A = arith.constant 2 : i32
    %mul3A_0 = arith.muli %arg1, %mul3A : i32
    %add3A = arith.addi %mul3A_0, %arg0 : i32
    %mul3A_1 = arith.constant 512 : i32
    %mul3A_2 = arith.muli %add3A, %mul3A_1 : i32
    %dma_start3A = arith.constant 0 : i32
    %dma_start3A_3 = arith.constant 0 : i32
    %dma_start3A_4 = tpu.memref_slice %arg3[%add3A, %dma_start3A, %dma_start3A_3] : memref<32x4x128xi32, #tpu.memory_space<hbm>> -> memref<1x4x128xi32, #tpu.memory_space<hbm>>
    %dma_start3A_5 = tpu.memref_squeeze %dma_start3A_4 : memref<1x4x128xi32, #tpu.memory_space<hbm>> -> memref<4x128xi32, #tpu.memory_space<hbm>>
    %dma_start3A_6 = arith.constant 0 : i32
    %dma_start3A_7 = arith.constant 0 : i32
    %dma_start3A_8 = tpu.memref_slice %arg3[%add3A, %dma_start3A_6, %dma_start3A_7] : memref<32x4x128xi32, #tpu.memory_space<hbm>> -> memref<1x4x128xi32, #tpu.memory_space<hbm>>
    %dma_start3A_9 = tpu.memref_squeeze %dma_start3A_8 : memref<1x4x128xi32, #tpu.memory_space<hbm>> -> memref<4x128xi32, #tpu.memory_space<hbm>>
    tpu.enqueue_dma source(%dma_start3A_9 : memref<4x128xi32, #tpu.memory_space<hbm>>) target(%arg5 : memref<4x128xi32, #tpu.memory_space<vmem>>) target_semaphore(%arg7 : memref<!tpu.dma_semaphore, #tpu.memory_space<semaphore_mem>>)
    %dma_start3A_10 = arith.constant 0 : i32
    %dma_start3A_11 = tpu.memref_slice %arg2[%mul3A_2, %dma_start3A_10] : memref<16384x16xf32, #tpu.memory_space<hbm>> -> memref<512x16xf32, #tpu.memory_space<hbm>>
    %dma_start3A_12 = arith.constant 0 : i32
    %dma_start3A_13 = tpu.memref_slice %arg2[%mul3A_2, %dma_start3A_12] : memref<16384x16xf32, #tpu.memory_space<hbm>> -> memref<512x16xf32, #tpu.memory_space<hbm>>
    tpu.enqueue_dma source(%dma_start3A_13 : memref<512x16xf32, #tpu.memory_space<hbm>>) target(%arg6 : memref<512x16xf32, #tpu.memory_space<vmem>>) target_semaphore(%arg8 : memref<!tpu.dma_semaphore, #tpu.memory_space<semaphore_mem>>)
    %dma_wait3A = arith.constant 0 : i32
    %dma_wait3A_14 = arith.constant 0 : i32
    %dma_wait3A_15 = tpu.memref_slice %arg3[%add3A, %dma_wait3A, %dma_wait3A_14] : memref<32x4x128xi32, #tpu.memory_space<hbm>> -> memref<1x4x128xi32, #tpu.memory_space<hbm>>
    %dma_wait3A_16 = tpu.memref_squeeze %dma_wait3A_15 : memref<1x4x128xi32, #tpu.memory_space<hbm>> -> memref<4x128xi32, #tpu.memory_space<hbm>>
    %dma_wait3A_17 = arith.constant 0 : i32
    %dma_wait3A_18 = arith.constant 0 : i32
    %dma_wait3A_19 = tpu.memref_slice %arg3[%add3A, %dma_wait3A_17, %dma_wait3A_18] : memref<32x4x128xi32, #tpu.memory_space<hbm>> -> memref<1x4x128xi32, #tpu.memory_space<hbm>>
    %dma_wait3A_20 = tpu.memref_squeeze %dma_wait3A_19 : memref<1x4x128xi32, #tpu.memory_space<hbm>> -> memref<4x128xi32, #tpu.memory_space<hbm>>
    tpu.wait_dma2 semaphore(%arg7 : memref<!tpu.dma_semaphore, #tpu.memory_space<semaphore_mem>>) src(%dma_wait3A_20 : memref<4x128xi32, #tpu.memory_space<hbm>>) dst(%arg5 : memref<4x128xi32, #tpu.memory_space<vmem>>)
    %dma_wait3A_21 = arith.constant 0 : i32
    %dma_wait3A_22 = tpu.memref_slice %arg2[%mul3A_2, %dma_wait3A_21] : memref<16384x16xf32, #tpu.memory_space<hbm>> -> memref<512x16xf32, #tpu.memory_space<hbm>>
    %dma_wait3A_23 = arith.constant 0 : i32
    %dma_wait3A_24 = tpu.memref_slice %arg2[%mul3A_2, %dma_wait3A_23] : memref<16384x16xf32, #tpu.memory_space<hbm>> -> memref<512x16xf32, #tpu.memory_space<hbm>>
    tpu.wait_dma2 semaphore(%arg8 : memref<!tpu.dma_semaphore, #tpu.memory_space<semaphore_mem>>) src(%dma_wait3A_24 : memref<512x16xf32, #tpu.memory_space<hbm>>) dst(%arg6 : memref<512x16xf32, #tpu.memory_space<vmem>>)
    %dma_start3A_25 = arith.constant 0 : i32
    %dma_start3A_26 = arith.constant 0 : i32
    %dma_start3A_27 = arith.constant 0 : i32
    %dma_start3A_28 = tpu.memref_slice %arg6[%dma_start3A_26, %dma_start3A_27] : memref<512x16xf32, #tpu.memory_space<vmem>> -> memref<128x16xf32, #tpu.memory_space<vmem>>
    %dma_start3A_29 = arith.constant 0 : i32
    %dma_start3A_30 = tpu.memref_slice %arg5[%dma_start3A_25, %dma_start3A_29] : memref<4x128xi32, #tpu.memory_space<vmem>> -> memref<1x128xi32, #tpu.memory_space<vmem>>
    %dma_start3A_31 = tpu.memref_squeeze %dma_start3A_30 : memref<1x128xi32, #tpu.memory_space<vmem>> -> memref<128xi32, #tpu.memory_space<vmem>>
    %dma_start3A_32 = arith.constant 0 : i32
    %dma_start3A_33 = arith.constant 0 : i32
    %dma_start3A_34 = tpu.memref_slice %arg4[%dma_start3A_32, %dma_start3A_33] : memref<32768x16xf32, #tpu.memory_space<hbm>> -> memref<32768x16xf32, #tpu.memory_space<hbm>>
    tpu.enqueue_indirect_dma source(%dma_start3A_28 : memref<128x16xf32, #tpu.memory_space<vmem>>) target(%dma_start3A_34 : memref<32768x16xf32, #tpu.memory_space<hbm>>) offsets(%dma_start3A_31 : memref<128xi32, #tpu.memory_space<vmem>>) semaphore(%arg9 : memref<!tpu.dma_semaphore, #tpu.memory_space<semaphore_mem>>)
    %dma_start3A_35 = arith.constant 1 : i32
    %dma_start3A_36 = arith.constant 128 : i32
    %dma_start3A_37 = arith.constant 0 : i32
    %dma_start3A_38 = tpu.memref_slice %arg6[%dma_start3A_36, %dma_start3A_37] : memref<512x16xf32, #tpu.memory_space<vmem>> -> memref<128x16xf32, #tpu.memory_space<vmem>>
    %dma_start3A_39 = arith.constant 0 : i32
    %dma_start3A_40 = tpu.memref_slice %arg5[%dma_start3A_35, %dma_start3A_39] : memref<4x128xi32, #tpu.memory_space<vmem>> -> memref<1x128xi32, #tpu.memory_space<vmem>>
    %dma_start3A_41 = tpu.memref_squeeze %dma_start3A_40 : memref<1x128xi32, #tpu.memory_space<vmem>> -> memref<128xi32, #tpu.memory_space<vmem>>
    %dma_start3A_42 = arith.constant 0 : i32
    %dma_start3A_43 = arith.constant 0 : i32
    %dma_start3A_44 = tpu.memref_slice %arg4[%dma_start3A_42, %dma_start3A_43] : memref<32768x16xf32, #tpu.memory_space<hbm>> -> memref<32768x16xf32, #tpu.memory_space<hbm>>
    tpu.enqueue_indirect_dma source(%dma_start3A_38 : memref<128x16xf32, #tpu.memory_space<vmem>>) target(%dma_start3A_44 : memref<32768x16xf32, #tpu.memory_space<hbm>>) offsets(%dma_start3A_41 : memref<128xi32, #tpu.memory_space<vmem>>) semaphore(%arg9 : memref<!tpu.dma_semaphore, #tpu.memory_space<semaphore_mem>>)
    %dma_start3A_45 = arith.constant 2 : i32
    %dma_start3A_46 = arith.constant 256 : i32
    %dma_start3A_47 = arith.constant 0 : i32
    %dma_start3A_48 = tpu.memref_slice %arg6[%dma_start3A_46, %dma_start3A_47] : memref<512x16xf32, #tpu.memory_space<vmem>> -> memref<128x16xf32, #tpu.memory_space<vmem>>
    %dma_start3A_49 = arith.constant 0 : i32
    %dma_start3A_50 = tpu.memref_slice %arg5[%dma_start3A_45, %dma_start3A_49] : memref<4x128xi32, #tpu.memory_space<vmem>> -> memref<1x128xi32, #tpu.memory_space<vmem>>
    %dma_start3A_51 = tpu.memref_squeeze %dma_start3A_50 : memref<1x128xi32, #tpu.memory_space<vmem>> -> memref<128xi32, #tpu.memory_space<vmem>>
    %dma_start3A_52 = arith.constant 0 : i32
    %dma_start3A_53 = arith.constant 0 : i32
    %dma_start3A_54 = tpu.memref_slice %arg4[%dma_start3A_52, %dma_start3A_53] : memref<32768x16xf32, #tpu.memory_space<hbm>> -> memref<32768x16xf32, #tpu.memory_space<hbm>>
    tpu.enqueue_indirect_dma source(%dma_start3A_48 : memref<128x16xf32, #tpu.memory_space<vmem>>) target(%dma_start3A_54 : memref<32768x16xf32, #tpu.memory_space<hbm>>) offsets(%dma_start3A_51 : memref<128xi32, #tpu.memory_space<vmem>>) semaphore(%arg9 : memref<!tpu.dma_semaphore, #tpu.memory_space<semaphore_mem>>)
    %dma_start3A_55 = arith.constant 3 : i32
    %dma_start3A_56 = arith.constant 384 : i32
    %dma_start3A_57 = arith.constant 0 : i32
    %dma_start3A_58 = tpu.memref_slice %arg6[%dma_start3A_56, %dma_start3A_57] : memref<512x16xf32, #tpu.memory_space<vmem>> -> memref<128x16xf32, #tpu.memory_space<vmem>>
    %dma_start3A_59 = arith.constant 0 : i32
    %dma_start3A_60 = tpu.memref_slice %arg5[%dma_start3A_55, %dma_start3A_59] : memref<4x128xi32, #tpu.memory_space<vmem>> -> memref<1x128xi32, #tpu.memory_space<vmem>>
    %dma_start3A_61 = tpu.memref_squeeze %dma_start3A_60 : memref<1x128xi32, #tpu.memory_space<vmem>> -> memref<128xi32, #tpu.memory_space<vmem>>
    %dma_start3A_62 = arith.constant 0 : i32
    %dma_start3A_63 = arith.constant 0 : i32
    %dma_start3A_64 = tpu.memref_slice %arg4[%dma_start3A_62, %dma_start3A_63] : memref<32768x16xf32, #tpu.memory_space<hbm>> -> memref<32768x16xf32, #tpu.memory_space<hbm>>
    tpu.enqueue_indirect_dma source(%dma_start3A_58 : memref<128x16xf32, #tpu.memory_space<vmem>>) target(%dma_start3A_64 : memref<32768x16xf32, #tpu.memory_space<hbm>>) offsets(%dma_start3A_61 : memref<128xi32, #tpu.memory_space<vmem>>) semaphore(%arg9 : memref<!tpu.dma_semaphore, #tpu.memory_space<semaphore_mem>>)
    %dma_wait3A_65 = arith.constant 0 : i32
    %dma_wait3A_66 = arith.constant 0 : i32
    %dma_wait3A_67 = arith.constant 0 : i32
    %dma_wait3A_68 = tpu.memref_slice %arg6[%dma_wait3A_66, %dma_wait3A_67] : memref<512x16xf32, #tpu.memory_space<vmem>> -> memref<128x16xf32, #tpu.memory_space<vmem>>
    %dma_wait3A_69 = arith.constant 0 : i32
    %dma_wait3A_70 = tpu.memref_slice %arg5[%dma_wait3A_65, %dma_wait3A_69] : memref<4x128xi32, #tpu.memory_space<vmem>> -> memref<1x128xi32, #tpu.memory_space<vmem>>
    %dma_wait3A_71 = tpu.memref_squeeze %dma_wait3A_70 : memref<1x128xi32, #tpu.memory_space<vmem>> -> memref<128xi32, #tpu.memory_space<vmem>>
    %dma_wait3A_72 = arith.constant 0 : i32
    %dma_wait3A_73 = arith.constant 0 : i32
    %dma_wait3A_74 = tpu.memref_slice %arg4[%dma_wait3A_72, %dma_wait3A_73] : memref<32768x16xf32, #tpu.memory_space<hbm>> -> memref<32768x16xf32, #tpu.memory_space<hbm>>
    tpu.wait_indirect_dma semaphore(%arg9 : memref<!tpu.dma_semaphore, #tpu.memory_space<semaphore_mem>>) src(%dma_wait3A_68 : memref<128x16xf32, #tpu.memory_space<vmem>>) dst(%dma_wait3A_74 : memref<32768x16xf32, #tpu.memory_space<hbm>>)
    %dma_wait3A_75 = arith.constant 1 : i32
    %dma_wait3A_76 = arith.constant 128 : i32
    %dma_wait3A_77 = arith.constant 0 : i32
    %dma_wait3A_78 = tpu.memref_slice %arg6[%dma_wait3A_76, %dma_wait3A_77] : memref<512x16xf32, #tpu.memory_space<vmem>> -> memref<128x16xf32, #tpu.memory_space<vmem>>
    %dma_wait3A_79 = arith.constant 0 : i32
    %dma_wait3A_80 = tpu.memref_slice %arg5[%dma_wait3A_75, %dma_wait3A_79] : memref<4x128xi32, #tpu.memory_space<vmem>> -> memref<1x128xi32, #tpu.memory_space<vmem>>
    %dma_wait3A_81 = tpu.memref_squeeze %dma_wait3A_80 : memref<1x128xi32, #tpu.memory_space<vmem>> -> memref<128xi32, #tpu.memory_space<vmem>>
    %dma_wait3A_82 = arith.constant 0 : i32
    %dma_wait3A_83 = arith.constant 0 : i32
    %dma_wait3A_84 = tpu.memref_slice %arg4[%dma_wait3A_82, %dma_wait3A_83] : memref<32768x16xf32, #tpu.memory_space<hbm>> -> memref<32768x16xf32, #tpu.memory_space<hbm>>
    tpu.wait_indirect_dma semaphore(%arg9 : memref<!tpu.dma_semaphore, #tpu.memory_space<semaphore_mem>>) src(%dma_wait3A_78 : memref<128x16xf32, #tpu.memory_space<vmem>>) dst(%dma_wait3A_84 : memref<32768x16xf32, #tpu.memory_space<hbm>>)
    %dma_wait3A_85 = arith.constant 2 : i32
    %dma_wait3A_86 = arith.constant 256 : i32
    %dma_wait3A_87 = arith.constant 0 : i32
    %dma_wait3A_88 = tpu.memref_slice %arg6[%dma_wait3A_86, %dma_wait3A_87] : memref<512x16xf32, #tpu.memory_space<vmem>> -> memref<128x16xf32, #tpu.memory_space<vmem>>
    %dma_wait3A_89 = arith.constant 0 : i32
    %dma_wait3A_90 = tpu.memref_slice %arg5[%dma_wait3A_85, %dma_wait3A_89] : memref<4x128xi32, #tpu.memory_space<vmem>> -> memref<1x128xi32, #tpu.memory_space<vmem>>
    %dma_wait3A_91 = tpu.memref_squeeze %dma_wait3A_90 : memref<1x128xi32, #tpu.memory_space<vmem>> -> memref<128xi32, #tpu.memory_space<vmem>>
    %dma_wait3A_92 = arith.constant 0 : i32
    %dma_wait3A_93 = arith.constant 0 : i32
    %dma_wait3A_94 = tpu.memref_slice %arg4[%dma_wait3A_92, %dma_wait3A_93] : memref<32768x16xf32, #tpu.memory_space<hbm>> -> memref<32768x16xf32, #tpu.memory_space<hbm>>
    tpu.wait_indirect_dma semaphore(%arg9 : memref<!tpu.dma_semaphore, #tpu.memory_space<semaphore_mem>>) src(%dma_wait3A_88 : memref<128x16xf32, #tpu.memory_space<vmem>>) dst(%dma_wait3A_94 : memref<32768x16xf32, #tpu.memory_space<hbm>>)
    %dma_wait3A_95 = arith.constant 3 : i32
    %dma_wait3A_96 = arith.constant 384 : i32
    %dma_wait3A_97 = arith.constant 0 : i32
    %dma_wait3A_98 = tpu.memref_slice %arg6[%dma_wait3A_96, %dma_wait3A_97] : memref<512x16xf32, #tpu.memory_space<vmem>> -> memref<128x16xf32, #tpu.memory_space<vmem>>
    %dma_wait3A_99 = arith.constant 0 : i32
    %dma_wait3A_100 = tpu.memref_slice %arg5[%dma_wait3A_95, %dma_wait3A_99] : memref<4x128xi32, #tpu.memory_space<vmem>> -> memref<1x128xi32, #tpu.memory_space<vmem>>
    %dma_wait3A_101 = tpu.memref_squeeze %dma_wait3A_100 : memref<1x128xi32, #tpu.memory_space<vmem>> -> memref<128xi32, #tpu.memory_space<vmem>>
    %dma_wait3A_102 = arith.constant 0 : i32
    %dma_wait3A_103 = arith.constant 0 : i32
    %dma_wait3A_104 = tpu.memref_slice %arg4[%dma_wait3A_102, %dma_wait3A_103] : memref<32768x16xf32, #tpu.memory_space<hbm>> -> memref<32768x16xf32, #tpu.memory_space<hbm>>
    tpu.wait_indirect_dma semaphore(%arg9 : memref<!tpu.dma_semaphore, #tpu.memory_space<semaphore_mem>>) src(%dma_wait3A_98 : memref<128x16xf32, #tpu.memory_space<vmem>>) dst(%dma_wait3A_104 : memref<32768x16xf32, #tpu.memory_space<hbm>>)
    return
  }
}

#map = affine_map<(d0, d1) -> (0, 0)>
#map1 = affine_map<(d0, d1) -> (0, 0, 0)>
module attributes {stable_mosaic.version = 14 : i64} {
  func.func @gather_k(%arg0: i32, %arg1: i32, %arg2: memref<32768x16xf32, #tpu.memory_space<hbm>>, %arg3: memref<32x4x128xi32, #tpu.memory_space<hbm>>, %arg4: memref<16384x16xf32, #tpu.memory_space<hbm>>, %arg5: memref<4x128xi32, #tpu.memory_space<vmem>>, %arg6: memref<512x16xf32, #tpu.memory_space<vmem>>, %arg7: memref<!tpu.dma_semaphore, #tpu.memory_space<semaphore_mem>>, %arg8: memref<!tpu.dma_semaphore, #tpu.memory_space<semaphore_mem>>, %arg9: memref<!tpu.dma_semaphore, #tpu.memory_space<semaphore_mem>>) attributes {dimension_semantics = [#tpu.dimension_semantics<core_parallel>, #tpu.dimension_semantics<subcore_parallel>], iteration_bounds = array<i64: 2, 16>, scalar_prefetch = 0 : i64, scratch_operands = 5 : i64, tpu.core_type = #tpu.core_type<sc_vector_subcore>, window_params = [{transform_indices = #map}, {transform_indices = #map1}, {transform_indices = #map}]} {
    %mul3A = arith.constant 2 : i32
    %mul3A_0 = arith.muli %arg1, %mul3A : i32
    %add3A = arith.addi %mul3A_0, %arg0 : i32
    %mul3A_1 = arith.constant 512 : i32
    %mul3A_2 = arith.muli %add3A, %mul3A_1 : i32
    %dma_start3A = arith.constant 0 : i32
    %dma_start3A_3 = arith.constant 0 : i32
    %dma_start3A_4 = tpu.memref_slice %arg3[%add3A, %dma_start3A, %dma_start3A_3] : memref<32x4x128xi32, #tpu.memory_space<hbm>> -> memref<1x4x128xi32, #tpu.memory_space<hbm>>
    %dma_start3A_5 = tpu.memref_squeeze %dma_start3A_4 : memref<1x4x128xi32, #tpu.memory_space<hbm>> -> memref<4x128xi32, #tpu.memory_space<hbm>>
    %dma_start3A_6 = arith.constant 0 : i32
    %dma_start3A_7 = arith.constant 0 : i32
    %dma_start3A_8 = tpu.memref_slice %arg3[%add3A, %dma_start3A_6, %dma_start3A_7] : memref<32x4x128xi32, #tpu.memory_space<hbm>> -> memref<1x4x128xi32, #tpu.memory_space<hbm>>
    %dma_start3A_9 = tpu.memref_squeeze %dma_start3A_8 : memref<1x4x128xi32, #tpu.memory_space<hbm>> -> memref<4x128xi32, #tpu.memory_space<hbm>>
    tpu.enqueue_dma source(%dma_start3A_9 : memref<4x128xi32, #tpu.memory_space<hbm>>) target(%arg5 : memref<4x128xi32, #tpu.memory_space<vmem>>) target_semaphore(%arg7 : memref<!tpu.dma_semaphore, #tpu.memory_space<semaphore_mem>>)
    %dma_wait3A = arith.constant 0 : i32
    %dma_wait3A_10 = arith.constant 0 : i32
    %dma_wait3A_11 = tpu.memref_slice %arg3[%add3A, %dma_wait3A, %dma_wait3A_10] : memref<32x4x128xi32, #tpu.memory_space<hbm>> -> memref<1x4x128xi32, #tpu.memory_space<hbm>>
    %dma_wait3A_12 = tpu.memref_squeeze %dma_wait3A_11 : memref<1x4x128xi32, #tpu.memory_space<hbm>> -> memref<4x128xi32, #tpu.memory_space<hbm>>
    %dma_wait3A_13 = arith.constant 0 : i32
    %dma_wait3A_14 = arith.constant 0 : i32
    %dma_wait3A_15 = tpu.memref_slice %arg3[%add3A, %dma_wait3A_13, %dma_wait3A_14] : memref<32x4x128xi32, #tpu.memory_space<hbm>> -> memref<1x4x128xi32, #tpu.memory_space<hbm>>
    %dma_wait3A_16 = tpu.memref_squeeze %dma_wait3A_15 : memref<1x4x128xi32, #tpu.memory_space<hbm>> -> memref<4x128xi32, #tpu.memory_space<hbm>>
    tpu.wait_dma2 semaphore(%arg7 : memref<!tpu.dma_semaphore, #tpu.memory_space<semaphore_mem>>) src(%dma_wait3A_16 : memref<4x128xi32, #tpu.memory_space<hbm>>) dst(%arg5 : memref<4x128xi32, #tpu.memory_space<vmem>>)
    %dma_start3A_17 = arith.constant 0 : i32
    %dma_start3A_18 = arith.constant 0 : i32
    %dma_start3A_19 = arith.constant 0 : i32
    %dma_start3A_20 = tpu.memref_slice %arg6[%dma_start3A_18, %dma_start3A_19] : memref<512x16xf32, #tpu.memory_space<vmem>> -> memref<128x16xf32, #tpu.memory_space<vmem>>
    %dma_start3A_21 = arith.constant 0 : i32
    %dma_start3A_22 = tpu.memref_slice %arg5[%dma_start3A_17, %dma_start3A_21] : memref<4x128xi32, #tpu.memory_space<vmem>> -> memref<1x128xi32, #tpu.memory_space<vmem>>
    %dma_start3A_23 = tpu.memref_squeeze %dma_start3A_22 : memref<1x128xi32, #tpu.memory_space<vmem>> -> memref<128xi32, #tpu.memory_space<vmem>>
    %dma_start3A_24 = arith.constant 0 : i32
    %dma_start3A_25 = arith.constant 0 : i32
    %dma_start3A_26 = tpu.memref_slice %arg2[%dma_start3A_24, %dma_start3A_25] : memref<32768x16xf32, #tpu.memory_space<hbm>> -> memref<32768x16xf32, #tpu.memory_space<hbm>>
    tpu.enqueue_indirect_dma source(%dma_start3A_26 : memref<32768x16xf32, #tpu.memory_space<hbm>>) target(%dma_start3A_20 : memref<128x16xf32, #tpu.memory_space<vmem>>) offsets(%dma_start3A_23 : memref<128xi32, #tpu.memory_space<vmem>>) semaphore(%arg8 : memref<!tpu.dma_semaphore, #tpu.memory_space<semaphore_mem>>)
    %dma_start3A_27 = arith.constant 1 : i32
    %dma_start3A_28 = arith.constant 128 : i32
    %dma_start3A_29 = arith.constant 0 : i32
    %dma_start3A_30 = tpu.memref_slice %arg6[%dma_start3A_28, %dma_start3A_29] : memref<512x16xf32, #tpu.memory_space<vmem>> -> memref<128x16xf32, #tpu.memory_space<vmem>>
    %dma_start3A_31 = arith.constant 0 : i32
    %dma_start3A_32 = tpu.memref_slice %arg5[%dma_start3A_27, %dma_start3A_31] : memref<4x128xi32, #tpu.memory_space<vmem>> -> memref<1x128xi32, #tpu.memory_space<vmem>>
    %dma_start3A_33 = tpu.memref_squeeze %dma_start3A_32 : memref<1x128xi32, #tpu.memory_space<vmem>> -> memref<128xi32, #tpu.memory_space<vmem>>
    %dma_start3A_34 = arith.constant 0 : i32
    %dma_start3A_35 = arith.constant 0 : i32
    %dma_start3A_36 = tpu.memref_slice %arg2[%dma_start3A_34, %dma_start3A_35] : memref<32768x16xf32, #tpu.memory_space<hbm>> -> memref<32768x16xf32, #tpu.memory_space<hbm>>
    tpu.enqueue_indirect_dma source(%dma_start3A_36 : memref<32768x16xf32, #tpu.memory_space<hbm>>) target(%dma_start3A_30 : memref<128x16xf32, #tpu.memory_space<vmem>>) offsets(%dma_start3A_33 : memref<128xi32, #tpu.memory_space<vmem>>) semaphore(%arg8 : memref<!tpu.dma_semaphore, #tpu.memory_space<semaphore_mem>>)
    %dma_start3A_37 = arith.constant 2 : i32
    %dma_start3A_38 = arith.constant 256 : i32
    %dma_start3A_39 = arith.constant 0 : i32
    %dma_start3A_40 = tpu.memref_slice %arg6[%dma_start3A_38, %dma_start3A_39] : memref<512x16xf32, #tpu.memory_space<vmem>> -> memref<128x16xf32, #tpu.memory_space<vmem>>
    %dma_start3A_41 = arith.constant 0 : i32
    %dma_start3A_42 = tpu.memref_slice %arg5[%dma_start3A_37, %dma_start3A_41] : memref<4x128xi32, #tpu.memory_space<vmem>> -> memref<1x128xi32, #tpu.memory_space<vmem>>
    %dma_start3A_43 = tpu.memref_squeeze %dma_start3A_42 : memref<1x128xi32, #tpu.memory_space<vmem>> -> memref<128xi32, #tpu.memory_space<vmem>>
    %dma_start3A_44 = arith.constant 0 : i32
    %dma_start3A_45 = arith.constant 0 : i32
    %dma_start3A_46 = tpu.memref_slice %arg2[%dma_start3A_44, %dma_start3A_45] : memref<32768x16xf32, #tpu.memory_space<hbm>> -> memref<32768x16xf32, #tpu.memory_space<hbm>>
    tpu.enqueue_indirect_dma source(%dma_start3A_46 : memref<32768x16xf32, #tpu.memory_space<hbm>>) target(%dma_start3A_40 : memref<128x16xf32, #tpu.memory_space<vmem>>) offsets(%dma_start3A_43 : memref<128xi32, #tpu.memory_space<vmem>>) semaphore(%arg8 : memref<!tpu.dma_semaphore, #tpu.memory_space<semaphore_mem>>)
    %dma_start3A_47 = arith.constant 3 : i32
    %dma_start3A_48 = arith.constant 384 : i32
    %dma_start3A_49 = arith.constant 0 : i32
    %dma_start3A_50 = tpu.memref_slice %arg6[%dma_start3A_48, %dma_start3A_49] : memref<512x16xf32, #tpu.memory_space<vmem>> -> memref<128x16xf32, #tpu.memory_space<vmem>>
    %dma_start3A_51 = arith.constant 0 : i32
    %dma_start3A_52 = tpu.memref_slice %arg5[%dma_start3A_47, %dma_start3A_51] : memref<4x128xi32, #tpu.memory_space<vmem>> -> memref<1x128xi32, #tpu.memory_space<vmem>>
    %dma_start3A_53 = tpu.memref_squeeze %dma_start3A_52 : memref<1x128xi32, #tpu.memory_space<vmem>> -> memref<128xi32, #tpu.memory_space<vmem>>
    %dma_start3A_54 = arith.constant 0 : i32
    %dma_start3A_55 = arith.constant 0 : i32
    %dma_start3A_56 = tpu.memref_slice %arg2[%dma_start3A_54, %dma_start3A_55] : memref<32768x16xf32, #tpu.memory_space<hbm>> -> memref<32768x16xf32, #tpu.memory_space<hbm>>
    tpu.enqueue_indirect_dma source(%dma_start3A_56 : memref<32768x16xf32, #tpu.memory_space<hbm>>) target(%dma_start3A_50 : memref<128x16xf32, #tpu.memory_space<vmem>>) offsets(%dma_start3A_53 : memref<128xi32, #tpu.memory_space<vmem>>) semaphore(%arg8 : memref<!tpu.dma_semaphore, #tpu.memory_space<semaphore_mem>>)
    %dma_wait3A_57 = arith.constant 0 : i32
    %dma_wait3A_58 = arith.constant 0 : i32
    %dma_wait3A_59 = arith.constant 0 : i32
    %dma_wait3A_60 = tpu.memref_slice %arg6[%dma_wait3A_58, %dma_wait3A_59] : memref<512x16xf32, #tpu.memory_space<vmem>> -> memref<128x16xf32, #tpu.memory_space<vmem>>
    %dma_wait3A_61 = arith.constant 0 : i32
    %dma_wait3A_62 = tpu.memref_slice %arg5[%dma_wait3A_57, %dma_wait3A_61] : memref<4x128xi32, #tpu.memory_space<vmem>> -> memref<1x128xi32, #tpu.memory_space<vmem>>
    %dma_wait3A_63 = tpu.memref_squeeze %dma_wait3A_62 : memref<1x128xi32, #tpu.memory_space<vmem>> -> memref<128xi32, #tpu.memory_space<vmem>>
    %dma_wait3A_64 = arith.constant 0 : i32
    %dma_wait3A_65 = arith.constant 0 : i32
    %dma_wait3A_66 = tpu.memref_slice %arg2[%dma_wait3A_64, %dma_wait3A_65] : memref<32768x16xf32, #tpu.memory_space<hbm>> -> memref<32768x16xf32, #tpu.memory_space<hbm>>
    tpu.wait_indirect_dma semaphore(%arg8 : memref<!tpu.dma_semaphore, #tpu.memory_space<semaphore_mem>>) src(%dma_wait3A_66 : memref<32768x16xf32, #tpu.memory_space<hbm>>) dst(%dma_wait3A_60 : memref<128x16xf32, #tpu.memory_space<vmem>>)
    %dma_wait3A_67 = arith.constant 1 : i32
    %dma_wait3A_68 = arith.constant 128 : i32
    %dma_wait3A_69 = arith.constant 0 : i32
    %dma_wait3A_70 = tpu.memref_slice %arg6[%dma_wait3A_68, %dma_wait3A_69] : memref<512x16xf32, #tpu.memory_space<vmem>> -> memref<128x16xf32, #tpu.memory_space<vmem>>
    %dma_wait3A_71 = arith.constant 0 : i32
    %dma_wait3A_72 = tpu.memref_slice %arg5[%dma_wait3A_67, %dma_wait3A_71] : memref<4x128xi32, #tpu.memory_space<vmem>> -> memref<1x128xi32, #tpu.memory_space<vmem>>
    %dma_wait3A_73 = tpu.memref_squeeze %dma_wait3A_72 : memref<1x128xi32, #tpu.memory_space<vmem>> -> memref<128xi32, #tpu.memory_space<vmem>>
    %dma_wait3A_74 = arith.constant 0 : i32
    %dma_wait3A_75 = arith.constant 0 : i32
    %dma_wait3A_76 = tpu.memref_slice %arg2[%dma_wait3A_74, %dma_wait3A_75] : memref<32768x16xf32, #tpu.memory_space<hbm>> -> memref<32768x16xf32, #tpu.memory_space<hbm>>
    tpu.wait_indirect_dma semaphore(%arg8 : memref<!tpu.dma_semaphore, #tpu.memory_space<semaphore_mem>>) src(%dma_wait3A_76 : memref<32768x16xf32, #tpu.memory_space<hbm>>) dst(%dma_wait3A_70 : memref<128x16xf32, #tpu.memory_space<vmem>>)
    %dma_wait3A_77 = arith.constant 2 : i32
    %dma_wait3A_78 = arith.constant 256 : i32
    %dma_wait3A_79 = arith.constant 0 : i32
    %dma_wait3A_80 = tpu.memref_slice %arg6[%dma_wait3A_78, %dma_wait3A_79] : memref<512x16xf32, #tpu.memory_space<vmem>> -> memref<128x16xf32, #tpu.memory_space<vmem>>
    %dma_wait3A_81 = arith.constant 0 : i32
    %dma_wait3A_82 = tpu.memref_slice %arg5[%dma_wait3A_77, %dma_wait3A_81] : memref<4x128xi32, #tpu.memory_space<vmem>> -> memref<1x128xi32, #tpu.memory_space<vmem>>
    %dma_wait3A_83 = tpu.memref_squeeze %dma_wait3A_82 : memref<1x128xi32, #tpu.memory_space<vmem>> -> memref<128xi32, #tpu.memory_space<vmem>>
    %dma_wait3A_84 = arith.constant 0 : i32
    %dma_wait3A_85 = arith.constant 0 : i32
    %dma_wait3A_86 = tpu.memref_slice %arg2[%dma_wait3A_84, %dma_wait3A_85] : memref<32768x16xf32, #tpu.memory_space<hbm>> -> memref<32768x16xf32, #tpu.memory_space<hbm>>
    tpu.wait_indirect_dma semaphore(%arg8 : memref<!tpu.dma_semaphore, #tpu.memory_space<semaphore_mem>>) src(%dma_wait3A_86 : memref<32768x16xf32, #tpu.memory_space<hbm>>) dst(%dma_wait3A_80 : memref<128x16xf32, #tpu.memory_space<vmem>>)
    %dma_wait3A_87 = arith.constant 3 : i32
    %dma_wait3A_88 = arith.constant 384 : i32
    %dma_wait3A_89 = arith.constant 0 : i32
    %dma_wait3A_90 = tpu.memref_slice %arg6[%dma_wait3A_88, %dma_wait3A_89] : memref<512x16xf32, #tpu.memory_space<vmem>> -> memref<128x16xf32, #tpu.memory_space<vmem>>
    %dma_wait3A_91 = arith.constant 0 : i32
    %dma_wait3A_92 = tpu.memref_slice %arg5[%dma_wait3A_87, %dma_wait3A_91] : memref<4x128xi32, #tpu.memory_space<vmem>> -> memref<1x128xi32, #tpu.memory_space<vmem>>
    %dma_wait3A_93 = tpu.memref_squeeze %dma_wait3A_92 : memref<1x128xi32, #tpu.memory_space<vmem>> -> memref<128xi32, #tpu.memory_space<vmem>>
    %dma_wait3A_94 = arith.constant 0 : i32
    %dma_wait3A_95 = arith.constant 0 : i32
    %dma_wait3A_96 = tpu.memref_slice %arg2[%dma_wait3A_94, %dma_wait3A_95] : memref<32768x16xf32, #tpu.memory_space<hbm>> -> memref<32768x16xf32, #tpu.memory_space<hbm>>
    tpu.wait_indirect_dma semaphore(%arg8 : memref<!tpu.dma_semaphore, #tpu.memory_space<semaphore_mem>>) src(%dma_wait3A_96 : memref<32768x16xf32, #tpu.memory_space<hbm>>) dst(%dma_wait3A_90 : memref<128x16xf32, #tpu.memory_space<vmem>>)
    "tpu.region"() ({
      %run_scoped3A = tpu.sem_alloc : memref<!tpu.dma_semaphore, #tpu.memory_space<semaphore_mem>>
      %dma_start3A_97 = arith.constant 0 : i32
      %dma_start3A_98 = tpu.memref_slice %arg4[%mul3A_2, %dma_start3A_97] : memref<16384x16xf32, #tpu.memory_space<hbm>> -> memref<512x16xf32, #tpu.memory_space<hbm>>
      %dma_start3A_99 = arith.constant 0 : i32
      %dma_start3A_100 = tpu.memref_slice %arg4[%mul3A_2, %dma_start3A_99] : memref<16384x16xf32, #tpu.memory_space<hbm>> -> memref<512x16xf32, #tpu.memory_space<hbm>>
      tpu.enqueue_dma source(%arg6 : memref<512x16xf32, #tpu.memory_space<vmem>>) target(%dma_start3A_100 : memref<512x16xf32, #tpu.memory_space<hbm>>) target_semaphore(%run_scoped3A : memref<!tpu.dma_semaphore, #tpu.memory_space<semaphore_mem>>)
      %dma_wait3A_101 = arith.constant 0 : i32
      %dma_wait3A_102 = tpu.memref_slice %arg4[%mul3A_2, %dma_wait3A_101] : memref<16384x16xf32, #tpu.memory_space<hbm>> -> memref<512x16xf32, #tpu.memory_space<hbm>>
      %dma_wait3A_103 = arith.constant 0 : i32
      %dma_wait3A_104 = tpu.memref_slice %arg4[%mul3A_2, %dma_wait3A_103] : memref<16384x16xf32, #tpu.memory_space<hbm>> -> memref<512x16xf32, #tpu.memory_space<hbm>>
      tpu.wait_dma2 semaphore(%run_scoped3A : memref<!tpu.dma_semaphore, #tpu.memory_space<semaphore_mem>>) src(%arg6 : memref<512x16xf32, #tpu.memory_space<vmem>>) dst(%dma_wait3A_104 : memref<512x16xf32, #tpu.memory_space<hbm>>)
      tpu.yield
    }) : () -> ()
    return
  }
}

module attributes {stable_mosaic.version = 14 : i64} {
  func.func @_hist_body(%arg0: i32, %arg1: memref<1x8x512xf32, #tpu.memory_space<vmem>>, %arg2: memref<1x8x512xf32, #tpu.memory_space<vmem>>, %arg3: memref<1x8x512xi32, #tpu.memory_space<vmem>>, %arg4: memref<64x128xf32, #tpu.memory_space<vmem>>, %arg5: memref<8x128xi32, #tpu.memory_space<vmem>>, %arg6: memref<64x128xf32, #tpu.memory_space<vmem>>) attributes {dimension_semantics = [#tpu.dimension_semantics<arbitrary>], iteration_bounds = array<i64: 4>, scalar_prefetch = 0 : i64, scratch_operands = 1 : i64, tpu.core_type = #tpu.core_type<tc>, window_params = [{transform_indices = @transform_0, window_bounds = array<i64: 1, 8, 512>}, {transform_indices = @transform_1, window_bounds = array<i64: 1, 8, 512>}, {transform_indices = @transform_2, window_bounds = array<i64: 1, 8, 512>}, {pipeline_mode = #tpu.pipeline_mode<synchronous>, transform_indices = @transform_3, window_bounds = array<i64: 64, 128>}, {pipeline_mode = #tpu.pipeline_mode<synchronous>, transform_indices = @transform_4, window_bounds = array<i64: 8, 128>}]} {
    %get3A = arith.constant 0 : index
    %get3A_0 = arith.constant 0 : index
    %get3A_1 = arith.constant 0 : index
    %get3A_2 = vector.load %arg2[%get3A, %get3A_0, %get3A_1] : memref<1x8x512xf32, #tpu.memory_space<vmem>>, vector<1x8x512xf32>
    %get3A_3 = vector.shape_cast %get3A_2 : vector<1x8x512xf32> to vector<8x512xf32>
    %get3A_4 = arith.constant 0 : index
    %get3A_5 = arith.constant 0 : index
    %get3A_6 = arith.constant 0 : index
    %get3A_7 = vector.load %arg1[%get3A_4, %get3A_5, %get3A_6] : memref<1x8x512xf32, #tpu.memory_space<vmem>>, vector<1x8x512xf32>
    %get3A_8 = vector.shape_cast %get3A_7 : vector<1x8x512xf32> to vector<8x512xf32>
    %atan23A = math.atan2 %get3A_3, %get3A_8 : vector<8x512xf32>
    %add3A = arith.constant 6.28318548 : f32
    %add3A_9 = vector.broadcast %add3A : f32 to vector<8x512xf32>
    %add3A_10 = arith.addf %atan23A, %add3A_9 : vector<8x512xf32>
    %jit3A = arith.constant 6.28318548 : f32
    %rem3A = vector.broadcast %jit3A : f32 to vector<8x512xf32>
    %rem3A_11 = arith.remf %add3A_10, %rem3A : vector<8x512xf32>
    %div3A = arith.constant 6.28318548 : f32
    %div3A_12 = vector.broadcast %div3A : f32 to vector<8x512xf32>
    %div3A_13 = arith.divf %rem3A_11, %div3A_12 : vector<8x512xf32>
    %mul3A = arith.constant 6.400000e+01 : f32
    %mul3A_14 = vector.broadcast %mul3A : f32 to vector<8x512xf32>
    %mul3A_15 = arith.mulf %div3A_13, %mul3A_14 : vector<8x512xf32>
    %floor3A = math.floor %mul3A_15 : vector<8x512xf32>
    %convert_element_type3A = arith.fptosi %floor3A : vector<8x512xf32> to vector<8x512xi32>
    %swap3A = arith.constant 0 : index
    %swap3A_16 = arith.constant 0 : index
    %swap3A_17 = arith.constant 0 : index
    %swap3A_18 = vector.load %arg3[%swap3A, %swap3A_16, %swap3A_17] : memref<1x8x512xi32, #tpu.memory_space<vmem>>, vector<1x8x512xi32>
    %swap3A_19 = vector.shape_cast %swap3A_18 : vector<1x8x512xi32> to vector<8x512xi32>
    %swap3A_20 = vector.shape_cast %convert_element_type3A : vector<8x512xi32> to vector<1x8x512xi32>
    tpu.vector_store %arg3[%swap3A, %swap3A_16, %swap3A_17], %swap3A_20 {strides = array<i32>} : memref<1x8x512xi32, #tpu.memory_space<vmem>>, vector<1x8x512xi32>,
    %max3A = arith.constant 0 : i32
    %max3A_21 = vector.broadcast %max3A : i32 to vector<8x512xi32>
    %max3A_22 = arith.maxsi %convert_element_type3A, %max3A_21 : vector<8x512xi32>
    %min3A = arith.constant 63 : i32
    %min3A_23 = vector.broadcast %min3A : i32 to vector<8x512xi32>
    %min3A_24 = arith.minsi %max3A_22, %min3A_23 : vector<8x512xi32>
    %iota3A = tpu.iota {dimensions = array<i32: 0>} : vector<64x8x512xi32>
    %broadcast_in_dim3A = vector.shape_cast %min3A_24 : vector<8x512xi32> to vector<1x8x512xi32>
    %eq3A = vector.broadcast %broadcast_in_dim3A : vector<1x8x512xi32> to vector<64x8x512xi32>
    %eq3A_25 = arith.cmpi eq, %iota3A, %eq3A : vector<64x8x512xi32>
    %convert_element_type3A_26 = arith.extui %eq3A_25 : vector<64x8x512xi1> to vector<64x8x512xi32>
    %convert_element_type3A_27 = arith.sitofp %convert_element_type3A_26 : vector<64x8x512xi32> to vector<64x8x512xf32>
    %reduce_sum3A = arith.constant dense<0.000000e+00> : vector<64x8xf32>
    %reduce_sum3A_28 = vector.multi_reduction <add>, %convert_element_type3A_27, %reduce_sum3A [2] : vector<64x8x512xf32> to vector<64x8xf32>
    %reduce_sum3A_29 = arith.constant dense<0.000000e+00> : vector<64xf32>
    %reduce_sum3A_30 = vector.multi_reduction <add>, %reduce_sum3A_28, %reduce_sum3A_29 [1] : vector<64x8xf32> to vector<64xf32>
    %broadcast_in_dim3A_31 = vector.shape_cast %reduce_sum3A_30 : vector<64xf32> to vector<64x1xf32>
    %eq3A_32 = arith.constant 0 : i32
    %eq3A_33 = arith.cmpi eq, %arg0, %eq3A_32 : i32
    %convert_element_type3A_34 = arith.extui %eq3A_33 : i1 to i32
    %cond3A = arith.constant 0 : i32
    %cond3A_35 = arith.cmpi ne, %convert_element_type3A_34, %cond3A : i32
    scf.if %cond3A_35 {
      %broadcast_in_dim3A_50 = arith.constant 0.000000e+00 : f32
      %broadcast_in_dim3A_51 = vector.broadcast %broadcast_in_dim3A_50 : f32 to vector<64x128xf32>
      %swap3A_52 = arith.constant 0 : index
      %swap3A_53 = arith.constant 0 : index
      %swap3A_54 = vector.load %arg6[%swap3A_52, %swap3A_53] : memref<64x128xf32, #tpu.memory_space<vmem>>, vector<64x128xf32>
      tpu.vector_store %arg6[%swap3A_52, %swap3A_53], %broadcast_in_dim3A_51 {strides = array<i32>} : memref<64x128xf32, #tpu.memory_space<vmem>>, vector<64x128xf32>,
    } else {
    }
    %get3A_36 = arith.constant 0 : index
    %get3A_37 = arith.constant 0 : index
    %get3A_38 = vector.load %arg6[%get3A_36, %get3A_37] : memref<64x128xf32, #tpu.memory_space<vmem>>, vector<64x128xf32>
    %broadcast_in_dim3A_39 = vector.shape_cast %broadcast_in_dim3A_31 : vector<64x1xf32> to vector<64x1xf32>
    %broadcast_in_dim3A_40 = vector.broadcast %broadcast_in_dim3A_39 : vector<64x1xf32> to vector<64x128xf32>
    %add3A_41 = arith.addf %get3A_38, %broadcast_in_dim3A_40 : vector<64x128xf32>
    %swap3A_42 = arith.constant 0 : index
    %swap3A_43 = arith.constant 0 : index
    %swap3A_44 = vector.load %arg6[%swap3A_42, %swap3A_43] : memref<64x128xf32, #tpu.memory_space<vmem>>, vector<64x128xf32>
    tpu.vector_store %arg6[%swap3A_42, %swap3A_43], %add3A_41 {strides = array<i32>} : memref<64x128xf32, #tpu.memory_space<vmem>>, vector<64x128xf32>,
    %eq3A_45 = arith.constant 3 : i32
    %eq3A_46 = arith.cmpi eq, %arg0, %eq3A_45 : i32
    %convert_element_type3A_47 = arith.extui %eq3A_46 : i1 to i32
    %cond3A_48 = arith.constant 0 : i32
    %cond3A_49 = arith.cmpi ne, %convert_element_type3A_47, %cond3A_48 : i32
    scf.if %cond3A_49 {
      %get3A_50 = arith.constant 0 : index
      %get3A_51 = arith.constant 0 : index
      %get3A_52 = vector.load %arg6[%get3A_50, %get3A_51] : memref<64x128xf32, #tpu.memory_space<vmem>>, vector<64x128xf32>
      %div3A_53 = arith.constant 2.560000e+02 : f32
      %div3A_54 = vector.broadcast %div3A_53 : f32 to vector<64x128xf32>
      %div3A_55 = arith.divf %get3A_52, %div3A_54 : vector<64x128xf32>
      %ceil3A = math.ceil %div3A_55 : vector<64x128xf32>
      %mul3A_56 = arith.constant 2.560000e+02 : f32
      %mul3A_57 = vector.broadcast %mul3A_56 : f32 to vector<64x128xf32>
      %mul3A_58 = arith.mulf %ceil3A, %mul3A_57 : vector<64x128xf32>
      %iota3A_59 = tpu.iota {dimensions = array<i32: 0>} : vector<64x64xi32>
      %iota3A_60 = tpu.iota {dimensions = array<i32: 1>} : vector<64x64xi32>
      %lt3A = arith.cmpi slt, %iota3A_60, %iota3A_59 : vector<64x64xi32>
      %convert_element_type3A_61 = arith.extui %lt3A : vector<64x64xi1> to vector<64x64xi32>
      %convert_element_type3A_62 = arith.sitofp %convert_element_type3A_61 : vector<64x64xi32> to vector<64x64xf32>
      %dot_general3A = arith.constant dense<0.000000e+00> : vector<64x128xf32>
      %dot_general3A_63 = tpu.matmul %convert_element_type3A_62, %mul3A_58, %dot_general3A {dimension_numbers = #tpu.dot_dimension_numbers<[1], [0], [0], [1], [0, 0, 1, 1], [], []>, transpose_lhs_hint = false} : vector<64x64xf32>, vector<64x128xf32>, vector<64x128xf32> -> vector<64x128xf32>
      %swap3A_64 = arith.constant 0 : index
      %swap3A_65 = arith.constant 0 : index
      %swap3A_66 = vector.load %arg4[%swap3A_64, %swap3A_65] : memref<64x128xf32, #tpu.memory_space<vmem>>, vector<64x128xf32>
      tpu.vector_store %arg4[%swap3A_64, %swap3A_65], %dot_general3A_63 {strides = array<i32>} : memref<64x128xf32, #tpu.memory_space<vmem>>, vector<64x128xf32>,
      %add3A_67 = arith.addf %dot_general3A_63, %mul3A_58 : vector<64x128xf32>
      %iota3A_68 = tpu.iota {dimensions = array<i32: 1>} : vector<64x128xi32>
      %convert_element_type3A_69 = arith.sitofp %iota3A_68 : vector<64x128xi32> to vector<64x128xf32>
      %mul3A_70 = arith.constant 2.560000e+02 : f32
      %mul3A_71 = vector.broadcast %mul3A_70 : f32 to vector<64x128xf32>
      %mul3A_72 = arith.mulf %convert_element_type3A_69, %mul3A_71 : vector<64x128xf32>
      %le3A = arith.cmpf ole, %dot_general3A_63, %mul3A_72 : vector<64x128xf32>
      %lt3A_73 = arith.cmpf olt, %mul3A_72, %add3A_67 : vector<64x128xf32>
      %and3A = arith.andi %le3A, %lt3A_73 : vector<64x128xi1>
      %iota3A_74 = tpu.iota {dimensions = array<i32: 0>} : vector<64x128xi32>
      %convert_element_type3A_75 = arith.sitofp %iota3A_74 : vector<64x128xi32> to vector<64x128xf32>
      %jit3A_76 = arith.constant 0.000000e+00 : f32
      %broadcast_in_dim3A_77 = vector.broadcast %jit3A_76 : f32 to vector<64x128xf32>
      %select_n3A = arith.select %and3A, %convert_element_type3A_75, %broadcast_in_dim3A_77 : vector<64x128xi1>, vector<64x128xf32>
      %reduce_sum3A_78 = arith.constant dense<0.000000e+00> : vector<128xf32>
      %reduce_sum3A_79 = vector.multi_reduction <add>, %select_n3A, %reduce_sum3A_78 [0] : vector<64x128xf32> to vector<128xf32>
      %broadcast_in_dim3A_80 = vector.shape_cast %reduce_sum3A_79 : vector<128xf32> to vector<1x128xf32>
      %slice3A = vector.extract_strided_slice %add3A_67 {offsets = [63, 0], sizes = [1, 1], strides = [1, 1]} : vector<64x128xf32> to vector<1x1xf32>
      %div3A_81 = arith.constant 1.024000e+03 : f32
      %div3A_82 = vector.broadcast %div3A_81 : f32 to vector<1x1xf32>
      %div3A_83 = arith.divf %slice3A, %div3A_82 : vector<1x1xf32>
      %ceil3A_84 = math.ceil %div3A_83 : vector<1x1xf32>
      %iota3A_85 = tpu.iota {dimensions = array<i32: 0>} : vector<8x128xi32>
      %iota3A_86 = tpu.iota {dimensions = array<i32: 1>} : vector<8x128xi32>
      %eq3A_87 = arith.constant 0 : i32
      %eq3A_88 = vector.broadcast %eq3A_87 : i32 to vector<8x128xi32>
      %eq3A_89 = arith.cmpi eq, %iota3A_85, %eq3A_88 : vector<8x128xi32>
      %broadcast_in_dim3A_90 = vector.shape_cast %broadcast_in_dim3A_80 : vector<1x128xf32> to vector<1x128xf32>
      %broadcast_in_dim3A_91 = vector.broadcast %broadcast_in_dim3A_90 : vector<1x128xf32> to vector<8x128xf32>
      %eq3A_92 = arith.constant 1 : i32
      %eq3A_93 = vector.broadcast %eq3A_92 : i32 to vector<8x128xi32>
      %eq3A_94 = arith.cmpi eq, %iota3A_85, %eq3A_93 : vector<8x128xi32>
      %eq3A_95 = arith.constant 0 : i32
      %eq3A_96 = vector.broadcast %eq3A_95 : i32 to vector<8x128xi32>
      %eq3A_97 = arith.cmpi eq, %iota3A_86, %eq3A_96 : vector<8x128xi32>
      %and3A_98 = arith.andi %eq3A_94, %eq3A_97 : vector<8x128xi1>
      %broadcast_in_dim3A_99 = vector.shape_cast %ceil3A_84 : vector<1x1xf32> to vector<1x1xf32>
      %broadcast_in_dim3A_100 = vector.broadcast %broadcast_in_dim3A_99 : vector<1x1xf32> to vector<8x128xf32>
      %jit3A_101 = arith.constant 0.000000e+00 : f32
      %broadcast_in_dim3A_102 = vector.broadcast %jit3A_101 : f32 to vector<8x128xf32>
      %select_n3A_103 = arith.select %and3A_98, %broadcast_in_dim3A_100, %broadcast_in_dim3A_102 : vector<8x128xi1>, vector<8x128xf32>
      %select_n3A_104 = arith.select %eq3A_89, %broadcast_in_dim3A_91, %select_n3A_103 : vector<8x128xi1>, vector<8x128xf32>
      %convert_element_type3A_105 = arith.fptosi %select_n3A_104 : vector<8x128xf32> to vector<8x128xi32>
      %swap3A_106 = arith.constant 0 : index
      %swap3A_107 = arith.constant 0 : index
      %swap3A_108 = vector.load %arg5[%swap3A_106, %swap3A_107] : memref<8x128xi32, #tpu.memory_space<vmem>>, vector<8x128xi32>
      tpu.vector_store %arg5[%swap3A_106, %swap3A_107], %convert_element_type3A_105 {strides = array<i32>} : memref<8x128xi32, #tpu.memory_space<vmem>>, vector<8x128xi32>,
    } else {
    }
    return
  }
  func.func @transform_0(%arg0: i32) -> (i32, i32, i32) {
    %c0_i32 = arith.constant 0 : i32
    %c0_i32_0 = arith.constant 0 : i32
    %c0_i32_1 = arith.constant 0 : i32
    return %arg0, %c0_i32, %c0_i32_0 : i32, i32, i32
  }
  func.func @transform_1(%arg0: i32) -> (i32, i32, i32) {
    %c0_i32 = arith.constant 0 : i32
    %c0_i32_0 = arith.constant 0 : i32
    %c0_i32_1 = arith.constant 0 : i32
    return %arg0, %c0_i32, %c0_i32_0 : i32, i32, i32
  }
  func.func @transform_2(%arg0: i32) -> (i32, i32, i32) {
    %c0_i32 = arith.constant 0 : i32
    %c0_i32_0 = arith.constant 0 : i32
    %c0_i32_1 = arith.constant 0 : i32
    return %arg0, %c0_i32, %c0_i32_0 : i32, i32, i32
  }
  func.func @transform_3(%arg0: i32) -> (i32, i32) {
    %c0_i32 = arith.constant 0 : i32
    %c0_i32_0 = arith.constant 0 : i32
    %c0_i32_1 = arith.constant 0 : i32
    return %c0_i32, %c0_i32_0 : i32, i32
  }
  func.func @transform_4(%arg0: i32) -> (i32, i32) {
    %c0_i32 = arith.constant 0 : i32
    %c0_i32_0 = arith.constant 0 : i32
    %c0_i32_1 = arith.constant 0 : i32
    return %c0_i32, %c0_i32_0 : i32, i32
  }
}

module attributes {stable_mosaic.version = 14 : i64} {
  func.func @_dest_body(%arg0: i32, %arg1: memref<1x8x512xi32, #tpu.memory_space<vmem>>, %arg2: memref<64x128xf32, #tpu.memory_space<vmem>>, %arg3: memref<8x4x128xi32, #tpu.memory_space<vmem>>, %arg4: memref<64x128xf32, #tpu.memory_space<vmem>>) attributes {dimension_semantics = [#tpu.dimension_semantics<arbitrary>], iteration_bounds = array<i64: 4>, scalar_prefetch = 0 : i64, scratch_operands = 1 : i64, tpu.core_type = #tpu.core_type<tc>, window_params = [{transform_indices = @transform_0, window_bounds = array<i64: 1, 8, 512>}, {pipeline_mode = #tpu.pipeline_mode<synchronous>, transform_indices = @transform_1, window_bounds = array<i64: 64, 128>}, {transform_indices = @transform_2, window_bounds = array<i64: 8, 4, 128>}]} {
    %eq3A = arith.constant 0 : i32
    %eq3A_0 = arith.cmpi eq, %arg0, %eq3A : i32
    %convert_element_type3A = arith.extui %eq3A_0 : i1 to i32
    %cond3A = arith.constant 0 : i32
    %cond3A_1 = arith.cmpi ne, %convert_element_type3A, %cond3A : i32
    scf.if %cond3A_1 {
      %broadcast_in_dim3A_81 = arith.constant 0.000000e+00 : f32
      %broadcast_in_dim3A_82 = vector.broadcast %broadcast_in_dim3A_81 : f32 to vector<64x128xf32>
      %swap3A_83 = arith.constant 0 : index
      %swap3A_84 = arith.constant 0 : index
      %swap3A_85 = vector.load %arg4[%swap3A_83, %swap3A_84] : memref<64x128xf32, #tpu.memory_space<vmem>>, vector<64x128xf32>
      tpu.vector_store %arg4[%swap3A_83, %swap3A_84], %broadcast_in_dim3A_82 {strides = array<i32>} : memref<64x128xf32, #tpu.memory_space<vmem>>, vector<64x128xf32>,
    } else {
    }
    %get3A = arith.constant 0 : index
    %get3A_2 = arith.constant 0 : index
    %get3A_3 = arith.constant 0 : index
    %get3A_4 = vector.load %arg1[%get3A, %get3A_2, %get3A_3] : memref<1x8x512xi32, #tpu.memory_space<vmem>>, vector<1x8x512xi32>
    %get3A_5 = vector.shape_cast %get3A_4 : vector<1x8x512xi32> to vector<8x512xi32>
    %max3A = arith.constant 0 : i32
    %max3A_6 = vector.broadcast %max3A : i32 to vector<8x512xi32>
    %max3A_7 = arith.maxsi %get3A_5, %max3A_6 : vector<8x512xi32>
    %min3A = arith.constant 63 : i32
    %min3A_8 = vector.broadcast %min3A : i32 to vector<8x512xi32>
    %min3A_9 = arith.minsi %max3A_7, %min3A_8 : vector<8x512xi32>
    %iota3A = tpu.iota {dimensions = array<i32: 0>} : vector<64x8x512xi32>
    %broadcast_in_dim3A = vector.shape_cast %min3A_9 : vector<8x512xi32> to vector<1x8x512xi32>
    %eq3A_10 = vector.broadcast %broadcast_in_dim3A : vector<1x8x512xi32> to vector<64x8x512xi32>
    %eq3A_11 = arith.cmpi eq, %iota3A, %eq3A_10 : vector<64x8x512xi32>
    %convert_element_type3A_12 = arith.extui %eq3A_11 : vector<64x8x512xi1> to vector<64x8x512xi32>
    %convert_element_type3A_13 = arith.sitofp %convert_element_type3A_12 : vector<64x8x512xi32> to vector<64x8x512xf32>
    %reduce_sum3A = arith.constant dense<0.000000e+00> : vector<64x8xf32>
    %reduce_sum3A_14 = vector.multi_reduction <add>, %convert_element_type3A_13, %reduce_sum3A [2] : vector<64x8x512xf32> to vector<64x8xf32>
    %reduce_sum3A_15 = arith.constant dense<0.000000e+00> : vector<64xf32>
    %reduce_sum3A_16 = vector.multi_reduction <add>, %reduce_sum3A_14, %reduce_sum3A_15 [1] : vector<64x8xf32> to vector<64xf32>
    %broadcast_in_dim3A_17 = vector.shape_cast %reduce_sum3A_16 : vector<64xf32> to vector<64x1xf32>
    %iota3A_18 = tpu.iota {dimensions = array<i32: 0>} : vector<8x8xi32>
    %iota3A_19 = tpu.iota {dimensions = array<i32: 1>} : vector<8x8xi32>
    %lt3A = arith.cmpi slt, %iota3A_18, %iota3A_19 : vector<8x8xi32>
    %convert_element_type3A_20 = arith.extui %lt3A : vector<8x8xi1> to vector<8x8xi32>
    %convert_element_type3A_21 = arith.sitofp %convert_element_type3A_20 : vector<8x8xi32> to vector<8x8xf32>
    %dot_general3A = arith.constant dense<0.000000e+00> : vector<64x8xf32>
    %dot_general3A_22 = tpu.matmul %reduce_sum3A_14, %convert_element_type3A_21, %dot_general3A {dimension_numbers = #tpu.dot_dimension_numbers<[1], [0], [0], [1], [0, 0, 1, 1], [], []>, transpose_lhs_hint = false} : vector<64x8xf32>, vector<8x8xf32>, vector<64x8xf32> -> vector<64x8xf32>
    %iota3A_23 = tpu.iota {dimensions = array<i32: 0>} : vector<512x512xi32>
    %iota3A_24 = tpu.iota {dimensions = array<i32: 1>} : vector<512x512xi32>
    %lt3A_25 = arith.cmpi slt, %iota3A_23, %iota3A_24 : vector<512x512xi32>
    %convert_element_type3A_26 = arith.extui %lt3A_25 : vector<512x512xi1> to vector<512x512xi32>
    %convert_element_type3A_27 = arith.sitofp %convert_element_type3A_26 : vector<512x512xi32> to vector<512x512xf32>
    %reshape3A = vector.shape_cast %convert_element_type3A_13 : vector<64x8x512xf32> to vector<512x512xf32>
    %dot_general3A_28 = arith.constant dense<0.000000e+00> : vector<512x512xf32>
    %dot_general3A_29 = tpu.matmul %reshape3A, %convert_element_type3A_27, %dot_general3A_28 {dimension_numbers = #tpu.dot_dimension_numbers<[1], [0], [0], [1], [0, 0, 1, 1], [], []>, transpose_lhs_hint = false} : vector<512x512xf32>, vector<512x512xf32>, vector<512x512xf32> -> vector<512x512xf32>
    %reshape3A_30 = vector.shape_cast %dot_general3A_29 : vector<512x512xf32> to vector<64x8x512xf32>
    %get3A_31 = arith.constant 0 : index
    %get3A_32 = arith.constant 0 : index
    %get3A_33 = vector.load %arg2[%get3A_31, %get3A_32] : memref<64x128xf32, #tpu.memory_space<vmem>>, vector<64x1xf32>
    %get3A_34 = arith.constant 0 : index
    %get3A_35 = arith.constant 0 : index
    %get3A_36 = vector.load %arg4[%get3A_34, %get3A_35] : memref<64x128xf32, #tpu.memory_space<vmem>>, vector<64x128xf32>
    %slice3A = vector.extract_strided_slice %get3A_36 {offsets = [0, 0], sizes = [64, 1], strides = [1, 1]} : vector<64x128xf32> to vector<64x1xf32>
    %add3A = arith.addf %get3A_33, %slice3A : vector<64x1xf32>
    %add3A_37 = vector.broadcast %add3A : vector<64x1xf32> to vector<64x8xf32>
    %add3A_38 = arith.addf %add3A_37, %dot_general3A_22 : vector<64x8xf32>
    %broadcast_in_dim3A_39 = vector.shape_cast %add3A_38 : vector<64x8xf32> to vector<64x8x1xf32>
    %add3A_40 = vector.broadcast %broadcast_in_dim3A_39 : vector<64x8x1xf32> to vector<64x8x512xf32>
    %add3A_41 = arith.addf %reshape3A_30, %add3A_40 : vector<64x8x512xf32>
    %mul3A = arith.mulf %convert_element_type3A_13, %add3A_41 : vector<64x8x512xf32>
    %reduce_sum3A_42 = arith.constant dense<0.000000e+00> : vector<8x512xf32>
    %reduce_sum3A_43 = vector.multi_reduction <add>, %mul3A, %reduce_sum3A_42 [0] : vector<64x8x512xf32> to vector<8x512xf32>
    %convert_element_type3A_44 = arith.fptosi %reduce_sum3A_43 : vector<8x512xf32> to vector<8x512xi32>
    %slice3A_45 = vector.extract_strided_slice %convert_element_type3A_44 {offsets = [0, 0], sizes = [8, 128], strides = [1, 1]} : vector<8x512xi32> to vector<8x128xi32>
    %swap3A = arith.constant 0 : index
    %swap3A_46 = arith.constant 0 : index
    %swap3A_47 = arith.constant 0 : index
    %swap3A_48 = vector.load %arg3[%swap3A, %swap3A_46, %swap3A_47] : memref<8x4x128xi32, #tpu.memory_space<vmem>>, vector<8x1x128xi32>
    %swap3A_49 = vector.shape_cast %swap3A_48 : vector<8x1x128xi32> to vector<8x128xi32>
    %swap3A_50 = vector.shape_cast %slice3A_45 : vector<8x128xi32> to vector<8x1x128xi32>
    tpu.vector_store %arg3[%swap3A, %swap3A_46, %swap3A_47], %swap3A_50 {strides = array<i32>} : memref<8x4x128xi32, #tpu.memory_space<vmem>>, vector<8x1x128xi32>,
    %slice3A_51 = vector.extract_strided_slice %convert_element_type3A_44 {offsets = [0, 128], sizes = [8, 128], strides = [1, 1]} : vector<8x512xi32> to vector<8x128xi32>
    %swap3A_52 = arith.constant 0 : index
    %swap3A_53 = arith.constant 1 : index
    %swap3A_54 = arith.constant 0 : index
    %swap3A_55 = vector.load %arg3[%swap3A_52, %swap3A_53, %swap3A_54] : memref<8x4x128xi32, #tpu.memory_space<vmem>>, vector<8x1x128xi32>
    %swap3A_56 = vector.shape_cast %swap3A_55 : vector<8x1x128xi32> to vector<8x128xi32>
    %swap3A_57 = vector.shape_cast %slice3A_51 : vector<8x128xi32> to vector<8x1x128xi32>
    tpu.vector_store %arg3[%swap3A_52, %swap3A_53, %swap3A_54], %swap3A_57 {strides = array<i32>} : memref<8x4x128xi32, #tpu.memory_space<vmem>>, vector<8x1x128xi32>,
    %slice3A_58 = vector.extract_strided_slice %convert_element_type3A_44 {offsets = [0, 256], sizes = [8, 128], strides = [1, 1]} : vector<8x512xi32> to vector<8x128xi32>
    %swap3A_59 = arith.constant 0 : index
    %swap3A_60 = arith.constant 2 : index
    %swap3A_61 = arith.constant 0 : index
    %swap3A_62 = vector.load %arg3[%swap3A_59, %swap3A_60, %swap3A_61] : memref<8x4x128xi32, #tpu.memory_space<vmem>>, vector<8x1x128xi32>
    %swap3A_63 = vector.shape_cast %swap3A_62 : vector<8x1x128xi32> to vector<8x128xi32>
    %swap3A_64 = vector.shape_cast %slice3A_58 : vector<8x128xi32> to vector<8x1x128xi32>
    tpu.vector_store %arg3[%swap3A_59, %swap3A_60, %swap3A_61], %swap3A_64 {strides = array<i32>} : memref<8x4x128xi32, #tpu.memory_space<vmem>>, vector<8x1x128xi32>,
    %slice3A_65 = vector.extract_strided_slice %convert_element_type3A_44 {offsets = [0, 384], sizes = [8, 128], strides = [1, 1]} : vector<8x512xi32> to vector<8x128xi32>
    %swap3A_66 = arith.constant 0 : index
    %swap3A_67 = arith.constant 3 : index
    %swap3A_68 = arith.constant 0 : index
    %swap3A_69 = vector.load %arg3[%swap3A_66, %swap3A_67, %swap3A_68] : memref<8x4x128xi32, #tpu.memory_space<vmem>>, vector<8x1x128xi32>
    %swap3A_70 = vector.shape_cast %swap3A_69 : vector<8x1x128xi32> to vector<8x128xi32>
    %swap3A_71 = vector.shape_cast %slice3A_65 : vector<8x128xi32> to vector<8x1x128xi32>
    tpu.vector_store %arg3[%swap3A_66, %swap3A_67, %swap3A_68], %swap3A_71 {strides = array<i32>} : memref<8x4x128xi32, #tpu.memory_space<vmem>>, vector<8x1x128xi32>,
    %get3A_72 = arith.constant 0 : index
    %get3A_73 = arith.constant 0 : index
    %get3A_74 = vector.load %arg4[%get3A_72, %get3A_73] : memref<64x128xf32, #tpu.memory_space<vmem>>, vector<64x128xf32>
    %broadcast_in_dim3A_75 = vector.shape_cast %broadcast_in_dim3A_17 : vector<64x1xf32> to vector<64x1xf32>
    %broadcast_in_dim3A_76 = vector.broadcast %broadcast_in_dim3A_75 : vector<64x1xf32> to vector<64x128xf32>
    %add3A_77 = arith.addf %get3A_74, %broadcast_in_dim3A_76 : vector<64x128xf32>
    %swap3A_78 = arith.constant 0 : index
    %swap3A_79 = arith.constant 0 : index
    %swap3A_80 = vector.load %arg4[%swap3A_78, %swap3A_79] : memref<64x128xf32, #tpu.memory_space<vmem>>, vector<64x128xf32>
    tpu.vector_store %arg4[%swap3A_78, %swap3A_79], %add3A_77 {strides = array<i32>} : memref<64x128xf32, #tpu.memory_space<vmem>>, vector<64x128xf32>,
    return
  }
  func.func @transform_0(%arg0: i32) -> (i32, i32, i32) {
    %c0_i32 = arith.constant 0 : i32
    %c0_i32_0 = arith.constant 0 : i32
    %c0_i32_1 = arith.constant 0 : i32
    return %arg0, %c0_i32, %c0_i32_0 : i32, i32, i32
  }
  func.func @transform_1(%arg0: i32) -> (i32, i32) {
    %c0_i32 = arith.constant 0 : i32
    %c0_i32_0 = arith.constant 0 : i32
    %c0_i32_1 = arith.constant 0 : i32
    return %c0_i32, %c0_i32_0 : i32, i32
  }
  func.func @transform_2(%arg0: i32) -> (i32, i32, i32) {
    %c0_i32 = arith.constant 0 : i32
    %c0_i32_0 = arith.constant 0 : i32
    %c0_i32_1 = arith.constant 0 : i32
    return %arg0, %c0_i32, %c0_i32_0 : i32, i32, i32
  }
}

module attributes {stable_mosaic.version = 14 : i64} {
  func.func @_mlp_body(%arg0: i32, %arg1: memref<128xi32, #tpu.memory_space<smem>>, %arg2: memref<1xi32, #tpu.memory_space<smem>>, %arg3: memref<1024x16xf32, #tpu.memory_space<vmem>>, %arg4: memref<1x16x64xf32, #tpu.memory_space<vmem>>, %arg5: memref<1x1x64xf32, #tpu.memory_space<vmem>>, %arg6: memref<1x64x64xf32, #tpu.memory_space<vmem>>, %arg7: memref<1x1x64xf32, #tpu.memory_space<vmem>>, %arg8: memref<1x64x64xf32, #tpu.memory_space<vmem>>, %arg9: memref<1x1x64xf32, #tpu.memory_space<vmem>>, %arg10: memref<1x64x64xf32, #tpu.memory_space<vmem>>, %arg11: memref<1x1x64xf32, #tpu.memory_space<vmem>>, %arg12: memref<1x64x16xf32, #tpu.memory_space<vmem>>, %arg13: memref<1x1x16xf32, #tpu.memory_space<vmem>>, %arg14: memref<1x16x64xf32, #tpu.memory_space<vmem>>, %arg15: memref<1x1x64xf32, #tpu.memory_space<vmem>>, %arg16: memref<1x64x64xf32, #tpu.memory_space<vmem>>, %arg17: memref<1x1x64xf32, #tpu.memory_space<vmem>>, %arg18: memref<1x64x64xf32, #tpu.memory_space<vmem>>, %arg19: memref<1x1x64xf32, #tpu.memory_space<vmem>>, %arg20: memref<1x64x64xf32, #tpu.memory_space<vmem>>, %arg21: memref<1x1x64xf32, #tpu.memory_space<vmem>>, %arg22: memref<1x64x16xf32, #tpu.memory_space<vmem>>, %arg23: memref<1x1x16xf32, #tpu.memory_space<vmem>>, %arg24: memref<1x16x64xf32, #tpu.memory_space<vmem>>, %arg25: memref<1x1x64xf32, #tpu.memory_space<vmem>>, %arg26: memref<1x64x64xf32, #tpu.memory_space<vmem>>, %arg27: memref<1x1x64xf32, #tpu.memory_space<vmem>>, %arg28: memref<1x64x64xf32, #tpu.memory_space<vmem>>, %arg29: memref<1x1x64xf32, #tpu.memory_space<vmem>>, %arg30: memref<1x64x64xf32, #tpu.memory_space<vmem>>, %arg31: memref<1x1x64xf32, #tpu.memory_space<vmem>>, %arg32: memref<1x64x16xf32, #tpu.memory_space<vmem>>, %arg33: memref<1x1x16xf32, #tpu.memory_space<vmem>>, %arg34: memref<1x16x64xf32, #tpu.memory_space<vmem>>, %arg35: memref<1x1x64xf32, #tpu.memory_space<vmem>>, %arg36: memref<1x64x64xf32, #tpu.memory_space<vmem>>, %arg37: memref<1x1x64xf32, #tpu.memory_space<vmem>>, %arg38: memref<1x64x64xf32, #tpu.memory_space<vmem>>, %arg39: memref<1x1x64xf32, #tpu.memory_space<vmem>>, %arg40: memref<1x64x64xf32, #tpu.memory_space<vmem>>, %arg41: memref<1x1x64xf32, #tpu.memory_space<vmem>>, %arg42: memref<1x64x16xf32, #tpu.memory_space<vmem>>, %arg43: memref<1x1x16xf32, #tpu.memory_space<vmem>>, %arg44: memref<1024x16xf32, #tpu.memory_space<vmem>>, %arg45: memref<64x256xf32, #tpu.memory_space<vmem>>, %arg46: memref<256x256xf32, #tpu.memory_space<vmem>>, %arg47: memref<256x256xf32, #tpu.memory_space<vmem>>, %arg48: memref<256x256xf32, #tpu.memory_space<vmem>>, %arg49: memref<256x64xf32, #tpu.memory_space<vmem>>) attributes {dimension_semantics = [#tpu.dimension_semantics<arbitrary>], iteration_bounds = array<i64: 32>, scalar_prefetch = 2 : i64, scratch_operands = 5 : i64, tpu.core_type = #tpu.core_type<tc>, window_params = [{transform_indices = @transform_0, window_bounds = array<i64: 1024, 16>}, {transform_indices = @transform_1, window_bounds = array<i64: 1, 16, 64>}, {transform_indices = @transform_2, window_bounds = array<i64: 1, 1, 64>}, {transform_indices = @transform_3, window_bounds = array<i64: 1, 64, 64>}, {transform_indices = @transform_4, window_bounds = array<i64: 1, 1, 64>}, {transform_indices = @transform_5, window_bounds = array<i64: 1, 64, 64>}, {transform_indices = @transform_6, window_bounds = array<i64: 1, 1, 64>}, {transform_indices = @transform_7, window_bounds = array<i64: 1, 64, 64>}, {transform_indices = @transform_8, window_bounds = array<i64: 1, 1, 64>}, {transform_indices = @transform_9, window_bounds = array<i64: 1, 64, 16>}, {transform_indices = @transform_10, window_bounds = array<i64: 1, 1, 16>}, {transform_indices = @transform_11, window_bounds = array<i64: 1, 16, 64>}, {transform_indices = @transform_12, window_bounds = array<i64: 1, 1, 64>}, {transform_indices = @transform_13, window_bounds = array<i64: 1, 64, 64>}, {transform_indices = @transform_14, window_bounds = array<i64: 1, 1, 64>}, {transform_indices = @transform_15, window_bounds = array<i64: 1, 64, 64>}, {transform_indices = @transform_16, window_bounds = array<i64: 1, 1, 64>}, {transform_indices = @transform_17, window_bounds = array<i64: 1, 64, 64>}, {transform_indices = @transform_18, window_bounds = array<i64: 1, 1, 64>}, {transform_indices = @transform_19, window_bounds = array<i64: 1, 64, 16>}, {transform_indices = @transform_20, window_bounds = array<i64: 1, 1, 16>}, {transform_indices = @transform_21, window_bounds = array<i64: 1, 16, 64>}, {transform_indices = @transform_22, window_bounds = array<i64: 1, 1, 64>}, {transform_indices = @transform_23, window_bounds = array<i64: 1, 64, 64>}, {transform_indices = @transform_24, window_bounds = array<i64: 1, 1, 64>}, {transform_indices = @transform_25, window_bounds = array<i64: 1, 64, 64>}, {transform_indices = @transform_26, window_bounds = array<i64: 1, 1, 64>}, {transform_indices = @transform_27, window_bounds = array<i64: 1, 64, 64>}, {transform_indices = @transform_28, window_bounds = array<i64: 1, 1, 64>}, {transform_indices = @transform_29, window_bounds = array<i64: 1, 64, 16>}, {transform_indices = @transform_30, window_bounds = array<i64: 1, 1, 16>}, {transform_indices = @transform_31, window_bounds = array<i64: 1, 16, 64>}, {transform_indices = @transform_32, window_bounds = array<i64: 1, 1, 64>}, {transform_indices = @transform_33, window_bounds = array<i64: 1, 64, 64>}, {transform_indices = @transform_34, window_bounds = array<i64: 1, 1, 64>}, {transform_indices = @transform_35, window_bounds = array<i64: 1, 64, 64>}, {transform_indices = @transform_36, window_bounds = array<i64: 1, 1, 64>}, {transform_indices = @transform_37, window_bounds = array<i64: 1, 64, 64>}, {transform_indices = @transform_38, window_bounds = array<i64: 1, 1, 64>}, {transform_indices = @transform_39, window_bounds = array<i64: 1, 64, 16>}, {transform_indices = @transform_40, window_bounds = array<i64: 1, 1, 16>}, {transform_indices = @transform_41, window_bounds = array<i64: 1024, 16>}]} {
    %eq3A = arith.constant 0 : i32
    %eq3A_0 = arith.cmpi eq, %arg0, %eq3A : i32
    %convert_element_type3A = arith.extui %eq3A_0 : i1 to i32
    %cond3A = arith.constant 0 : i32
    %cond3A_1 = arith.cmpi ne, %convert_element_type3A, %cond3A : i32
    scf.if %cond3A_1 {
      %broadcast_in_dim3A = arith.constant 0.000000e+00 : f32
      %broadcast_in_dim3A_6 = vector.broadcast %broadcast_in_dim3A : f32 to vector<64x256xf32>
      %swap3A = arith.constant 0 : index
      %swap3A_7 = arith.constant 0 : index
      %swap3A_8 = vector.load %arg45[%swap3A, %swap3A_7] : memref<64x256xf32, #tpu.memory_space<vmem>>, vector<64x256xf32>
      tpu.vector_store %arg45[%swap3A, %swap3A_7], %broadcast_in_dim3A_6 {strides = array<i32>} : memref<64x256xf32, #tpu.memory_space<vmem>>, vector<64x256xf32>,
      %broadcast_in_dim3A_9 = arith.constant 0.000000e+00 : f32
      %broadcast_in_dim3A_10 = vector.broadcast %broadcast_in_dim3A_9 : f32 to vector<256x256xf32>
      %swap3A_11 = arith.constant 0 : index
      %swap3A_12 = arith.constant 0 : index
      %swap3A_13 = vector.load %arg46[%swap3A_11, %swap3A_12] : memref<256x256xf32, #tpu.memory_space<vmem>>, vector<256x256xf32>
      tpu.vector_store %arg46[%swap3A_11, %swap3A_12], %broadcast_in_dim3A_10 {strides = array<i32>} : memref<256x256xf32, #tpu.memory_space<vmem>>, vector<256x256xf32>,
      %broadcast_in_dim3A_14 = arith.constant 0.000000e+00 : f32
      %broadcast_in_dim3A_15 = vector.broadcast %broadcast_in_dim3A_14 : f32 to vector<256x256xf32>
      %swap3A_16 = arith.constant 0 : index
      %swap3A_17 = arith.constant 0 : index
      %swap3A_18 = vector.load %arg47[%swap3A_16, %swap3A_17] : memref<256x256xf32, #tpu.memory_space<vmem>>, vector<256x256xf32>
      tpu.vector_store %arg47[%swap3A_16, %swap3A_17], %broadcast_in_dim3A_15 {strides = array<i32>} : memref<256x256xf32, #tpu.memory_space<vmem>>, vector<256x256xf32>,
      %broadcast_in_dim3A_19 = arith.constant 0.000000e+00 : f32
      %broadcast_in_dim3A_20 = vector.broadcast %broadcast_in_dim3A_19 : f32 to vector<256x256xf32>
      %swap3A_21 = arith.constant 0 : index
      %swap3A_22 = arith.constant 0 : index
      %swap3A_23 = vector.load %arg48[%swap3A_21, %swap3A_22] : memref<256x256xf32, #tpu.memory_space<vmem>>, vector<256x256xf32>
      tpu.vector_store %arg48[%swap3A_21, %swap3A_22], %broadcast_in_dim3A_20 {strides = array<i32>} : memref<256x256xf32, #tpu.memory_space<vmem>>, vector<256x256xf32>,
      %broadcast_in_dim3A_24 = arith.constant 0.000000e+00 : f32
      %broadcast_in_dim3A_25 = vector.broadcast %broadcast_in_dim3A_24 : f32 to vector<256x64xf32>
      %swap3A_26 = arith.constant 0 : index
      %swap3A_27 = arith.constant 0 : index
      %swap3A_28 = vector.load %arg49[%swap3A_26, %swap3A_27] : memref<256x64xf32, #tpu.memory_space<vmem>>, vector<256x64xf32>
      tpu.vector_store %arg49[%swap3A_26, %swap3A_27], %broadcast_in_dim3A_25 {strides = array<i32>} : memref<256x64xf32, #tpu.memory_space<vmem>>, vector<256x64xf32>,
    } else {
    }
    %get3A = arith.constant 0 : index
    %get3A_2 = memref.load %arg2[%get3A] : memref<1xi32, #tpu.memory_space<smem>>
    %lt3A = arith.cmpi slt, %arg0, %get3A_2 : i32
    %convert_element_type3A_3 = arith.extui %lt3A : i1 to i32
    %cond3A_4 = arith.constant 0 : i32
    %cond3A_5 = arith.cmpi ne, %convert_element_type3A_3, %cond3A_4 : i32
    scf.if %cond3A_5 {
      %get3A_6 = arith.constant 0 : index
      %get3A_7 = arith.constant 0 : index
      %get3A_8 = arith.constant 0 : index
      %get3A_9 = vector.load %arg4[%get3A_6, %get3A_7, %get3A_8] : memref<1x16x64xf32, #tpu.memory_space<vmem>>, vector<1x16x64xf32>
      %get3A_10 = vector.shape_cast %get3A_9 : vector<1x16x64xf32> to vector<16x64xf32>
      %swap3A = arith.constant 0 : index
      %swap3A_11 = arith.constant 0 : index
      %swap3A_12 = vector.load %arg45[%swap3A, %swap3A_11] : memref<64x256xf32, #tpu.memory_space<vmem>>, vector<16x64xf32>
      tpu.vector_store %arg45[%swap3A, %swap3A_11], %get3A_10 {strides = array<i32>} : memref<64x256xf32, #tpu.memory_space<vmem>>, vector<16x64xf32>,
      %get3A_13 = arith.constant 0 : index
      %get3A_14 = arith.constant 0 : index
      %get3A_15 = arith.constant 0 : index
      %get3A_16 = vector.load %arg6[%get3A_13, %get3A_14, %get3A_15] : memref<1x64x64xf32, #tpu.memory_space<vmem>>, vector<1x64x64xf32>
      %get3A_17 = vector.shape_cast %get3A_16 : vector<1x64x64xf32> to vector<64x64xf32>
      %swap3A_18 = arith.constant 0 : index
      %swap3A_19 = arith.constant 0 : index
      %swap3A_20 = vector.load %arg46[%swap3A_18, %swap3A_19] : memref<256x256xf32, #tpu.memory_space<vmem>>, vector<64x64xf32>
      tpu.vector_store %arg46[%swap3A_18, %swap3A_19], %get3A_17 {strides = array<i32>} : memref<256x256xf32, #tpu.memory_space<vmem>>, vector<64x64xf32>,
      %get3A_21 = arith.constant 0 : index
      %get3A_22 = arith.constant 0 : index
      %get3A_23 = arith.constant 0 : index
      %get3A_24 = vector.load %arg8[%get3A_21, %get3A_22, %get3A_23] : memref<1x64x64xf32, #tpu.memory_space<vmem>>, vector<1x64x64xf32>
      %get3A_25 = vector.shape_cast %get3A_24 : vector<1x64x64xf32> to vector<64x64xf32>
      %swap3A_26 = arith.constant 0 : index
      %swap3A_27 = arith.constant 0 : index
      %swap3A_28 = vector.load %arg47[%swap3A_26, %swap3A_27] : memref<256x256xf32, #tpu.memory_space<vmem>>, vector<64x64xf32>
      tpu.vector_store %arg47[%swap3A_26, %swap3A_27], %get3A_25 {strides = array<i32>} : memref<256x256xf32, #tpu.memory_space<vmem>>, vector<64x64xf32>,
      %get3A_29 = arith.constant 0 : index
      %get3A_30 = arith.constant 0 : index
      %get3A_31 = arith.constant 0 : index
      %get3A_32 = vector.load %arg10[%get3A_29, %get3A_30, %get3A_31] : memref<1x64x64xf32, #tpu.memory_space<vmem>>, vector<1x64x64xf32>
      %get3A_33 = vector.shape_cast %get3A_32 : vector<1x64x64xf32> to vector<64x64xf32>
      %swap3A_34 = arith.constant 0 : index
      %swap3A_35 = arith.constant 0 : index
      %swap3A_36 = vector.load %arg48[%swap3A_34, %swap3A_35] : memref<256x256xf32, #tpu.memory_space<vmem>>, vector<64x64xf32>
      tpu.vector_store %arg48[%swap3A_34, %swap3A_35], %get3A_33 {strides = array<i32>} : memref<256x256xf32, #tpu.memory_space<vmem>>, vector<64x64xf32>,
      %get3A_37 = arith.constant 0 : index
      %get3A_38 = arith.constant 0 : index
      %get3A_39 = arith.constant 0 : index
      %get3A_40 = vector.load %arg12[%get3A_37, %get3A_38, %get3A_39] : memref<1x64x16xf32, #tpu.memory_space<vmem>>, vector<1x64x16xf32>
      %get3A_41 = vector.shape_cast %get3A_40 : vector<1x64x16xf32> to vector<64x16xf32>
      %swap3A_42 = arith.constant 0 : index
      %swap3A_43 = arith.constant 0 : index
      %swap3A_44 = vector.load %arg49[%swap3A_42, %swap3A_43] : memref<256x64xf32, #tpu.memory_space<vmem>>, vector<64x16xf32>
      tpu.vector_store %arg49[%swap3A_42, %swap3A_43], %get3A_41 {strides = array<i32>} : memref<256x64xf32, #tpu.memory_space<vmem>>, vector<64x16xf32>,
      %get3A_45 = arith.constant 0 : index
      %get3A_46 = arith.constant 0 : index
      %get3A_47 = arith.constant 0 : index
      %get3A_48 = vector.load %arg14[%get3A_45, %get3A_46, %get3A_47] : memref<1x16x64xf32, #tpu.memory_space<vmem>>, vector<1x16x64xf32>
      %get3A_49 = vector.shape_cast %get3A_48 : vector<1x16x64xf32> to vector<16x64xf32>
      %swap3A_50 = arith.constant 16 : index
      %swap3A_51 = arith.constant 64 : index
      %swap3A_52 = vector.load %arg45[%swap3A_50, %swap3A_51] : memref<64x256xf32, #tpu.memory_space<vmem>>, vector<16x64xf32>
      tpu.vector_store %arg45[%swap3A_50, %swap3A_51], %get3A_49 {strides = array<i32>} : memref<64x256xf32, #tpu.memory_space<vmem>>, vector<16x64xf32>,
      %get3A_53 = arith.constant 0 : index
      %get3A_54 = arith.constant 0 : index
      %get3A_55 = arith.constant 0 : index
      %get3A_56 = vector.load %arg16[%get3A_53, %get3A_54, %get3A_55] : memref<1x64x64xf32, #tpu.memory_space<vmem>>, vector<1x64x64xf32>
      %get3A_57 = vector.shape_cast %get3A_56 : vector<1x64x64xf32> to vector<64x64xf32>
      %swap3A_58 = arith.constant 64 : index
      %swap3A_59 = arith.constant 64 : index
      %swap3A_60 = vector.load %arg46[%swap3A_58, %swap3A_59] : memref<256x256xf32, #tpu.memory_space<vmem>>, vector<64x64xf32>
      tpu.vector_store %arg46[%swap3A_58, %swap3A_59], %get3A_57 {strides = array<i32>} : memref<256x256xf32, #tpu.memory_space<vmem>>, vector<64x64xf32>,
      %get3A_61 = arith.constant 0 : index
      %get3A_62 = arith.constant 0 : index
      %get3A_63 = arith.constant 0 : index
      %get3A_64 = vector.load %arg18[%get3A_61, %get3A_62, %get3A_63] : memref<1x64x64xf32, #tpu.memory_space<vmem>>, vector<1x64x64xf32>
      %get3A_65 = vector.shape_cast %get3A_64 : vector<1x64x64xf32> to vector<64x64xf32>
      %swap3A_66 = arith.constant 64 : index
      %swap3A_67 = arith.constant 64 : index
      %swap3A_68 = vector.load %arg47[%swap3A_66, %swap3A_67] : memref<256x256xf32, #tpu.memory_space<vmem>>, vector<64x64xf32>
      tpu.vector_store %arg47[%swap3A_66, %swap3A_67], %get3A_65 {strides = array<i32>} : memref<256x256xf32, #tpu.memory_space<vmem>>, vector<64x64xf32>,
      %get3A_69 = arith.constant 0 : index
      %get3A_70 = arith.constant 0 : index
      %get3A_71 = arith.constant 0 : index
      %get3A_72 = vector.load %arg20[%get3A_69, %get3A_70, %get3A_71] : memref<1x64x64xf32, #tpu.memory_space<vmem>>, vector<1x64x64xf32>
      %get3A_73 = vector.shape_cast %get3A_72 : vector<1x64x64xf32> to vector<64x64xf32>
      %swap3A_74 = arith.constant 64 : index
      %swap3A_75 = arith.constant 64 : index
      %swap3A_76 = vector.load %arg48[%swap3A_74, %swap3A_75] : memref<256x256xf32, #tpu.memory_space<vmem>>, vector<64x64xf32>
      tpu.vector_store %arg48[%swap3A_74, %swap3A_75], %get3A_73 {strides = array<i32>} : memref<256x256xf32, #tpu.memory_space<vmem>>, vector<64x64xf32>,
      %get3A_77 = arith.constant 0 : index
      %get3A_78 = arith.constant 0 : index
      %get3A_79 = arith.constant 0 : index
      %get3A_80 = vector.load %arg22[%get3A_77, %get3A_78, %get3A_79] : memref<1x64x16xf32, #tpu.memory_space<vmem>>, vector<1x64x16xf32>
      %get3A_81 = vector.shape_cast %get3A_80 : vector<1x64x16xf32> to vector<64x16xf32>
      %swap3A_82 = arith.constant 64 : index
      %swap3A_83 = arith.constant 16 : index
      %swap3A_84 = vector.load %arg49[%swap3A_82, %swap3A_83] : memref<256x64xf32, #tpu.memory_space<vmem>>, vector<64x16xf32>
      tpu.vector_store %arg49[%swap3A_82, %swap3A_83], %get3A_81 {strides = array<i32>} : memref<256x64xf32, #tpu.memory_space<vmem>>, vector<64x16xf32>,
      %get3A_85 = arith.constant 0 : index
      %get3A_86 = arith.constant 0 : index
      %get3A_87 = arith.constant 0 : index
      %get3A_88 = vector.load %arg24[%get3A_85, %get3A_86, %get3A_87] : memref<1x16x64xf32, #tpu.memory_space<vmem>>, vector<1x16x64xf32>
      %get3A_89 = vector.shape_cast %get3A_88 : vector<1x16x64xf32> to vector<16x64xf32>
      %swap3A_90 = arith.constant 32 : index
      %swap3A_91 = arith.constant 128 : index
      %swap3A_92 = vector.load %arg45[%swap3A_90, %swap3A_91] : memref<64x256xf32, #tpu.memory_space<vmem>>, vector<16x64xf32>
      tpu.vector_store %arg45[%swap3A_90, %swap3A_91], %get3A_89 {strides = array<i32>} : memref<64x256xf32, #tpu.memory_space<vmem>>, vector<16x64xf32>,
      %get3A_93 = arith.constant 0 : index
      %get3A_94 = arith.constant 0 : index
      %get3A_95 = arith.constant 0 : index
      %get3A_96 = vector.load %arg26[%get3A_93, %get3A_94, %get3A_95] : memref<1x64x64xf32, #tpu.memory_space<vmem>>, vector<1x64x64xf32>
      %get3A_97 = vector.shape_cast %get3A_96 : vector<1x64x64xf32> to vector<64x64xf32>
      %swap3A_98 = arith.constant 128 : index
      %swap3A_99 = arith.constant 128 : index
      %swap3A_100 = vector.load %arg46[%swap3A_98, %swap3A_99] : memref<256x256xf32, #tpu.memory_space<vmem>>, vector<64x64xf32>
      tpu.vector_store %arg46[%swap3A_98, %swap3A_99], %get3A_97 {strides = array<i32>} : memref<256x256xf32, #tpu.memory_space<vmem>>, vector<64x64xf32>,
      %get3A_101 = arith.constant 0 : index
      %get3A_102 = arith.constant 0 : index
      %get3A_103 = arith.constant 0 : index
      %get3A_104 = vector.load %arg28[%get3A_101, %get3A_102, %get3A_103] : memref<1x64x64xf32, #tpu.memory_space<vmem>>, vector<1x64x64xf32>
      %get3A_105 = vector.shape_cast %get3A_104 : vector<1x64x64xf32> to vector<64x64xf32>
      %swap3A_106 = arith.constant 128 : index
      %swap3A_107 = arith.constant 128 : index
      %swap3A_108 = vector.load %arg47[%swap3A_106, %swap3A_107] : memref<256x256xf32, #tpu.memory_space<vmem>>, vector<64x64xf32>
      tpu.vector_store %arg47[%swap3A_106, %swap3A_107], %get3A_105 {strides = array<i32>} : memref<256x256xf32, #tpu.memory_space<vmem>>, vector<64x64xf32>,
      %get3A_109 = arith.constant 0 : index
      %get3A_110 = arith.constant 0 : index
      %get3A_111 = arith.constant 0 : index
      %get3A_112 = vector.load %arg30[%get3A_109, %get3A_110, %get3A_111] : memref<1x64x64xf32, #tpu.memory_space<vmem>>, vector<1x64x64xf32>
      %get3A_113 = vector.shape_cast %get3A_112 : vector<1x64x64xf32> to vector<64x64xf32>
      %swap3A_114 = arith.constant 128 : index
      %swap3A_115 = arith.constant 128 : index
      %swap3A_116 = vector.load %arg48[%swap3A_114, %swap3A_115] : memref<256x256xf32, #tpu.memory_space<vmem>>, vector<64x64xf32>
      tpu.vector_store %arg48[%swap3A_114, %swap3A_115], %get3A_113 {strides = array<i32>} : memref<256x256xf32, #tpu.memory_space<vmem>>, vector<64x64xf32>,
      %get3A_117 = arith.constant 0 : index
      %get3A_118 = arith.constant 0 : index
      %get3A_119 = arith.constant 0 : index
      %get3A_120 = vector.load %arg32[%get3A_117, %get3A_118, %get3A_119] : memref<1x64x16xf32, #tpu.memory_space<vmem>>, vector<1x64x16xf32>
      %get3A_121 = vector.shape_cast %get3A_120 : vector<1x64x16xf32> to vector<64x16xf32>
      %swap3A_122 = arith.constant 128 : index
      %swap3A_123 = arith.constant 32 : index
      %swap3A_124 = vector.load %arg49[%swap3A_122, %swap3A_123] : memref<256x64xf32, #tpu.memory_space<vmem>>, vector<64x16xf32>
      tpu.vector_store %arg49[%swap3A_122, %swap3A_123], %get3A_121 {strides = array<i32>} : memref<256x64xf32, #tpu.memory_space<vmem>>, vector<64x16xf32>,
      %get3A_125 = arith.constant 0 : index
      %get3A_126 = arith.constant 0 : index
      %get3A_127 = arith.constant 0 : index
      %get3A_128 = vector.load %arg34[%get3A_125, %get3A_126, %get3A_127] : memref<1x16x64xf32, #tpu.memory_space<vmem>>, vector<1x16x64xf32>
      %get3A_129 = vector.shape_cast %get3A_128 : vector<1x16x64xf32> to vector<16x64xf32>
      %swap3A_130 = arith.constant 48 : index
      %swap3A_131 = arith.constant 192 : index
      %swap3A_132 = vector.load %arg45[%swap3A_130, %swap3A_131] : memref<64x256xf32, #tpu.memory_space<vmem>>, vector<16x64xf32>
      tpu.vector_store %arg45[%swap3A_130, %swap3A_131], %get3A_129 {strides = array<i32>} : memref<64x256xf32, #tpu.memory_space<vmem>>, vector<16x64xf32>,
      %get3A_133 = arith.constant 0 : index
      %get3A_134 = arith.constant 0 : index
      %get3A_135 = arith.constant 0 : index
      %get3A_136 = vector.load %arg36[%get3A_133, %get3A_134, %get3A_135] : memref<1x64x64xf32, #tpu.memory_space<vmem>>, vector<1x64x64xf32>
      %get3A_137 = vector.shape_cast %get3A_136 : vector<1x64x64xf32> to vector<64x64xf32>
      %swap3A_138 = arith.constant 192 : index
      %swap3A_139 = arith.constant 192 : index
      %swap3A_140 = vector.load %arg46[%swap3A_138, %swap3A_139] : memref<256x256xf32, #tpu.memory_space<vmem>>, vector<64x64xf32>
      tpu.vector_store %arg46[%swap3A_138, %swap3A_139], %get3A_137 {strides = array<i32>} : memref<256x256xf32, #tpu.memory_space<vmem>>, vector<64x64xf32>,
      %get3A_141 = arith.constant 0 : index
      %get3A_142 = arith.constant 0 : index
      %get3A_143 = arith.constant 0 : index
      %get3A_144 = vector.load %arg38[%get3A_141, %get3A_142, %get3A_143] : memref<1x64x64xf32, #tpu.memory_space<vmem>>, vector<1x64x64xf32>
      %get3A_145 = vector.shape_cast %get3A_144 : vector<1x64x64xf32> to vector<64x64xf32>
      %swap3A_146 = arith.constant 192 : index
      %swap3A_147 = arith.constant 192 : index
      %swap3A_148 = vector.load %arg47[%swap3A_146, %swap3A_147] : memref<256x256xf32, #tpu.memory_space<vmem>>, vector<64x64xf32>
      tpu.vector_store %arg47[%swap3A_146, %swap3A_147], %get3A_145 {strides = array<i32>} : memref<256x256xf32, #tpu.memory_space<vmem>>, vector<64x64xf32>,
      %get3A_149 = arith.constant 0 : index
      %get3A_150 = arith.constant 0 : index
      %get3A_151 = arith.constant 0 : index
      %get3A_152 = vector.load %arg40[%get3A_149, %get3A_150, %get3A_151] : memref<1x64x64xf32, #tpu.memory_space<vmem>>, vector<1x64x64xf32>
      %get3A_153 = vector.shape_cast %get3A_152 : vector<1x64x64xf32> to vector<64x64xf32>
      %swap3A_154 = arith.constant 192 : index
      %swap3A_155 = arith.constant 192 : index
      %swap3A_156 = vector.load %arg48[%swap3A_154, %swap3A_155] : memref<256x256xf32, #tpu.memory_space<vmem>>, vector<64x64xf32>
      tpu.vector_store %arg48[%swap3A_154, %swap3A_155], %get3A_153 {strides = array<i32>} : memref<256x256xf32, #tpu.memory_space<vmem>>, vector<64x64xf32>,
      %get3A_157 = arith.constant 0 : index
      %get3A_158 = arith.constant 0 : index
      %get3A_159 = arith.constant 0 : index
      %get3A_160 = vector.load %arg42[%get3A_157, %get3A_158, %get3A_159] : memref<1x64x16xf32, #tpu.memory_space<vmem>>, vector<1x64x16xf32>
      %get3A_161 = vector.shape_cast %get3A_160 : vector<1x64x16xf32> to vector<64x16xf32>
      %swap3A_162 = arith.constant 192 : index
      %swap3A_163 = arith.constant 48 : index
      %swap3A_164 = vector.load %arg49[%swap3A_162, %swap3A_163] : memref<256x64xf32, #tpu.memory_space<vmem>>, vector<64x16xf32>
      tpu.vector_store %arg49[%swap3A_162, %swap3A_163], %get3A_161 {strides = array<i32>} : memref<256x64xf32, #tpu.memory_space<vmem>>, vector<64x16xf32>,
      %get3A_165 = arith.constant 0 : index
      %get3A_166 = arith.constant 0 : index
      %get3A_167 = vector.load %arg3[%get3A_165, %get3A_166] : memref<1024x16xf32, #tpu.memory_space<vmem>>, vector<256x16xf32>
      %get3A_168 = arith.constant 256 : index
      %get3A_169 = arith.constant 0 : index
      %get3A_170 = vector.load %arg3[%get3A_168, %get3A_169] : memref<1024x16xf32, #tpu.memory_space<vmem>>, vector<256x16xf32>
      %get3A_171 = arith.constant 512 : index
      %get3A_172 = arith.constant 0 : index
      %get3A_173 = vector.load %arg3[%get3A_171, %get3A_172] : memref<1024x16xf32, #tpu.memory_space<vmem>>, vector<256x16xf32>
      %get3A_174 = arith.constant 768 : index
      %get3A_175 = arith.constant 0 : index
      %get3A_176 = vector.load %arg3[%get3A_174, %get3A_175] : memref<1024x16xf32, #tpu.memory_space<vmem>>, vector<256x16xf32>
      %concatenate3A = tpu.concatenate %get3A_167, %get3A_170, %get3A_173, %get3A_176 in 1 : vector<256x16xf32>, vector<256x16xf32>, vector<256x16xf32>, vector<256x16xf32> -> vector<256x64xf32>
      %get3A_177 = arith.constant 0 : index
      %get3A_178 = arith.constant 0 : index
      %get3A_179 = vector.load %arg45[%get3A_177, %get3A_178] : memref<64x256xf32, #tpu.memory_space<vmem>>, vector<64x256xf32>
      %dot_general3A = arith.constant dense<0.000000e+00> : vector<256x256xf32>
      %dot_general3A_180 = tpu.matmul %concatenate3A, %get3A_179, %dot_general3A {dimension_numbers = #tpu.dot_dimension_numbers<[1], [0], [0], [1], [0, 0, 1, 1], [], []>, transpose_lhs_hint = false} : vector<256x64xf32>, vector<64x256xf32>, vector<256x256xf32> -> vector<256x256xf32>
      %get3A_181 = arith.constant 0 : index
      %get3A_182 = arith.constant 0 : index
      %get3A_183 = arith.constant 0 : index
      %get3A_184 = vector.load %arg5[%get3A_181, %get3A_182, %get3A_183] : memref<1x1x64xf32, #tpu.memory_space<vmem>>, vector<1x1x64xf32>
      %get3A_185 = vector.shape_cast %get3A_184 : vector<1x1x64xf32> to vector<1x64xf32>
      %get3A_186 = arith.constant 0 : index
      %get3A_187 = arith.constant 0 : index
      %get3A_188 = arith.constant 0 : index
      %get3A_189 = vector.load %arg15[%get3A_186, %get3A_187, %get3A_188] : memref<1x1x64xf32, #tpu.memory_space<vmem>>, vector<1x1x64xf32>
      %get3A_190 = vector.shape_cast %get3A_189 : vector<1x1x64xf32> to vector<1x64xf32>
      %get3A_191 = arith.constant 0 : index
      %get3A_192 = arith.constant 0 : index
      %get3A_193 = arith.constant 0 : index
      %get3A_194 = vector.load %arg25[%get3A_191, %get3A_192, %get3A_193] : memref<1x1x64xf32, #tpu.memory_space<vmem>>, vector<1x1x64xf32>
      %get3A_195 = vector.shape_cast %get3A_194 : vector<1x1x64xf32> to vector<1x64xf32>
      %get3A_196 = arith.constant 0 : index
      %get3A_197 = arith.constant 0 : index
      %get3A_198 = arith.constant 0 : index
      %get3A_199 = vector.load %arg35[%get3A_196, %get3A_197, %get3A_198] : memref<1x1x64xf32, #tpu.memory_space<vmem>>, vector<1x1x64xf32>
      %get3A_200 = vector.shape_cast %get3A_199 : vector<1x1x64xf32> to vector<1x64xf32>
      %concatenate3A_201 = tpu.concatenate %get3A_185, %get3A_190, %get3A_195, %get3A_200 in 1 : vector<1x64xf32>, vector<1x64xf32>, vector<1x64xf32>, vector<1x64xf32> -> vector<1x256xf32>
      %add3A = vector.broadcast %concatenate3A_201 : vector<1x256xf32> to vector<256x256xf32>
      %add3A_202 = arith.addf %dot_general3A_180, %add3A : vector<256x256xf32>
      %max3A = arith.constant 0.000000e+00 : f32
      %max3A_203 = vector.broadcast %max3A : f32 to vector<256x256xf32>
      %max3A_204 = arith.maximumf %add3A_202, %max3A_203 : vector<256x256xf32>
      %get3A_205 = arith.constant 0 : index
      %get3A_206 = arith.constant 0 : index
      %get3A_207 = vector.load %arg46[%get3A_205, %get3A_206] : memref<256x256xf32, #tpu.memory_space<vmem>>, vector<256x256xf32>
      %dot_general3A_208 = arith.constant dense<0.000000e+00> : vector<256x256xf32>
      %dot_general3A_209 = tpu.matmul %max3A_204, %get3A_207, %dot_general3A_208 {dimension_numbers = #tpu.dot_dimension_numbers<[1], [1], [0], [0], [0, 0, 1, 0], [], []>, transpose_lhs_hint = false} : vector<256x256xf32>, vector<256x256xf32>, vector<256x256xf32> -> vector<256x256xf32>
      %get3A_210 = arith.constant 0 : index
      %get3A_211 = arith.constant 0 : index
      %get3A_212 = arith.constant 0 : index
      %get3A_213 = vector.load %arg7[%get3A_210, %get3A_211, %get3A_212] : memref<1x1x64xf32, #tpu.memory_space<vmem>>, vector<1x1x64xf32>
      %get3A_214 = vector.shape_cast %get3A_213 : vector<1x1x64xf32> to vector<1x64xf32>
      %get3A_215 = arith.constant 0 : index
      %get3A_216 = arith.constant 0 : index
      %get3A_217 = arith.constant 0 : index
      %get3A_218 = vector.load %arg17[%get3A_215, %get3A_216, %get3A_217] : memref<1x1x64xf32, #tpu.memory_space<vmem>>, vector<1x1x64xf32>
      %get3A_219 = vector.shape_cast %get3A_218 : vector<1x1x64xf32> to vector<1x64xf32>
      %get3A_220 = arith.constant 0 : index
      %get3A_221 = arith.constant 0 : index
      %get3A_222 = arith.constant 0 : index
      %get3A_223 = vector.load %arg27[%get3A_220, %get3A_221, %get3A_222] : memref<1x1x64xf32, #tpu.memory_space<vmem>>, vector<1x1x64xf32>
      %get3A_224 = vector.shape_cast %get3A_223 : vector<1x1x64xf32> to vector<1x64xf32>
      %get3A_225 = arith.constant 0 : index
      %get3A_226 = arith.constant 0 : index
      %get3A_227 = arith.constant 0 : index
      %get3A_228 = vector.load %arg37[%get3A_225, %get3A_226, %get3A_227] : memref<1x1x64xf32, #tpu.memory_space<vmem>>, vector<1x1x64xf32>
      %get3A_229 = vector.shape_cast %get3A_228 : vector<1x1x64xf32> to vector<1x64xf32>
      %concatenate3A_230 = tpu.concatenate %get3A_214, %get3A_219, %get3A_224, %get3A_229 in 1 : vector<1x64xf32>, vector<1x64xf32>, vector<1x64xf32>, vector<1x64xf32> -> vector<1x256xf32>
      %add3A_231 = vector.broadcast %concatenate3A_230 : vector<1x256xf32> to vector<256x256xf32>
      %add3A_232 = arith.addf %dot_general3A_209, %add3A_231 : vector<256x256xf32>
      %max3A_233 = arith.constant 0.000000e+00 : f32
      %max3A_234 = vector.broadcast %max3A_233 : f32 to vector<256x256xf32>
      %max3A_235 = arith.maximumf %add3A_232, %max3A_234 : vector<256x256xf32>
      %get3A_236 = arith.constant 0 : index
      %get3A_237 = arith.constant 0 : index
      %get3A_238 = vector.load %arg47[%get3A_236, %get3A_237] : memref<256x256xf32, #tpu.memory_space<vmem>>, vector<256x256xf32>
      %dot_general3A_239 = arith.constant dense<0.000000e+00> : vector<256x256xf32>
      %dot_general3A_240 = tpu.matmul %max3A_235, %get3A_238, %dot_general3A_239 {dimension_numbers = #tpu.dot_dimension_numbers<[1], [1], [0], [0], [0, 0, 1, 0], [], []>, transpose_lhs_hint = false} : vector<256x256xf32>, vector<256x256xf32>, vector<256x256xf32> -> vector<256x256xf32>
      %get3A_241 = arith.constant 0 : index
      %get3A_242 = arith.constant 0 : index
      %get3A_243 = arith.constant 0 : index
      %get3A_244 = vector.load %arg9[%get3A_241, %get3A_242, %get3A_243] : memref<1x1x64xf32, #tpu.memory_space<vmem>>, vector<1x1x64xf32>
      %get3A_245 = vector.shape_cast %get3A_244 : vector<1x1x64xf32> to vector<1x64xf32>
      %get3A_246 = arith.constant 0 : index
      %get3A_247 = arith.constant 0 : index
      %get3A_248 = arith.constant 0 : index
      %get3A_249 = vector.load %arg19[%get3A_246, %get3A_247, %get3A_248] : memref<1x1x64xf32, #tpu.memory_space<vmem>>, vector<1x1x64xf32>
      %get3A_250 = vector.shape_cast %get3A_249 : vector<1x1x64xf32> to vector<1x64xf32>
      %get3A_251 = arith.constant 0 : index
      %get3A_252 = arith.constant 0 : index
      %get3A_253 = arith.constant 0 : index
      %get3A_254 = vector.load %arg29[%get3A_251, %get3A_252, %get3A_253] : memref<1x1x64xf32, #tpu.memory_space<vmem>>, vector<1x1x64xf32>
      %get3A_255 = vector.shape_cast %get3A_254 : vector<1x1x64xf32> to vector<1x64xf32>
      %get3A_256 = arith.constant 0 : index
      %get3A_257 = arith.constant 0 : index
      %get3A_258 = arith.constant 0 : index
      %get3A_259 = vector.load %arg39[%get3A_256, %get3A_257, %get3A_258] : memref<1x1x64xf32, #tpu.memory_space<vmem>>, vector<1x1x64xf32>
      %get3A_260 = vector.shape_cast %get3A_259 : vector<1x1x64xf32> to vector<1x64xf32>
      %concatenate3A_261 = tpu.concatenate %get3A_245, %get3A_250, %get3A_255, %get3A_260 in 1 : vector<1x64xf32>, vector<1x64xf32>, vector<1x64xf32>, vector<1x64xf32> -> vector<1x256xf32>
      %add3A_262 = vector.broadcast %concatenate3A_261 : vector<1x256xf32> to vector<256x256xf32>
      %add3A_263 = arith.addf %dot_general3A_240, %add3A_262 : vector<256x256xf32>
      %max3A_264 = arith.constant 0.000000e+00 : f32
      %max3A_265 = vector.broadcast %max3A_264 : f32 to vector<256x256xf32>
      %max3A_266 = arith.maximumf %add3A_263, %max3A_265 : vector<256x256xf32>
      %get3A_267 = arith.constant 0 : index
      %get3A_268 = arith.constant 0 : index
      %get3A_269 = vector.load %arg48[%get3A_267, %get3A_268] : memref<256x256xf32, #tpu.memory_space<vmem>>, vector<256x256xf32>
      %dot_general3A_270 = arith.constant dense<0.000000e+00> : vector<256x256xf32>
      %dot_general3A_271 = tpu.matmul %max3A_266, %get3A_269, %dot_general3A_270 {dimension_numbers = #tpu.dot_dimension_numbers<[1], [1], [0], [0], [0, 0, 1, 0], [], []>, transpose_lhs_hint = false} : vector<256x256xf32>, vector<256x256xf32>, vector<256x256xf32> -> vector<256x256xf32>
      %get3A_272 = arith.constant 0 : index
      %get3A_273 = arith.constant 0 : index
      %get3A_274 = arith.constant 0 : index
      %get3A_275 = vector.load %arg11[%get3A_272, %get3A_273, %get3A_274] : memref<1x1x64xf32, #tpu.memory_space<vmem>>, vector<1x1x64xf32>
      %get3A_276 = vector.shape_cast %get3A_275 : vector<1x1x64xf32> to vector<1x64xf32>
      %get3A_277 = arith.constant 0 : index
      %get3A_278 = arith.constant 0 : index
      %get3A_279 = arith.constant 0 : index
      %get3A_280 = vector.load %arg21[%get3A_277, %get3A_278, %get3A_279] : memref<1x1x64xf32, #tpu.memory_space<vmem>>, vector<1x1x64xf32>
      %get3A_281 = vector.shape_cast %get3A_280 : vector<1x1x64xf32> to vector<1x64xf32>
      %get3A_282 = arith.constant 0 : index
      %get3A_283 = arith.constant 0 : index
      %get3A_284 = arith.constant 0 : index
      %get3A_285 = vector.load %arg31[%get3A_282, %get3A_283, %get3A_284] : memref<1x1x64xf32, #tpu.memory_space<vmem>>, vector<1x1x64xf32>
      %get3A_286 = vector.shape_cast %get3A_285 : vector<1x1x64xf32> to vector<1x64xf32>
      %get3A_287 = arith.constant 0 : index
      %get3A_288 = arith.constant 0 : index
      %get3A_289 = arith.constant 0 : index
      %get3A_290 = vector.load %arg41[%get3A_287, %get3A_288, %get3A_289] : memref<1x1x64xf32, #tpu.memory_space<vmem>>, vector<1x1x64xf32>
      %get3A_291 = vector.shape_cast %get3A_290 : vector<1x1x64xf32> to vector<1x64xf32>
      %concatenate3A_292 = tpu.concatenate %get3A_276, %get3A_281, %get3A_286, %get3A_291 in 1 : vector<1x64xf32>, vector<1x64xf32>, vector<1x64xf32>, vector<1x64xf32> -> vector<1x256xf32>
      %add3A_293 = vector.broadcast %concatenate3A_292 : vector<1x256xf32> to vector<256x256xf32>
      %add3A_294 = arith.addf %dot_general3A_271, %add3A_293 : vector<256x256xf32>
      %max3A_295 = arith.constant 0.000000e+00 : f32
      %max3A_296 = vector.broadcast %max3A_295 : f32 to vector<256x256xf32>
      %max3A_297 = arith.maximumf %add3A_294, %max3A_296 : vector<256x256xf32>
      %get3A_298 = arith.constant 0 : index
      %get3A_299 = arith.constant 0 : index
      %get3A_300 = vector.load %arg49[%get3A_298, %get3A_299] : memref<256x64xf32, #tpu.memory_space<vmem>>, vector<256x64xf32>
      %dot_general3A_301 = arith.constant dense<0.000000e+00> : vector<256x64xf32>
      %dot_general3A_302 = tpu.matmul %max3A_297, %get3A_300, %dot_general3A_301 {dimension_numbers = #tpu.dot_dimension_numbers<[1], [0], [0], [1], [0, 0, 1, 1], [], []>, transpose_lhs_hint = false} : vector<256x256xf32>, vector<256x64xf32>, vector<256x64xf32> -> vector<256x64xf32>
      %get3A_303 = arith.constant 0 : index
      %get3A_304 = arith.constant 0 : index
      %get3A_305 = arith.constant 0 : index
      %get3A_306 = vector.load %arg13[%get3A_303, %get3A_304, %get3A_305] : memref<1x1x16xf32, #tpu.memory_space<vmem>>, vector<1x1x16xf32>
      %get3A_307 = vector.shape_cast %get3A_306 : vector<1x1x16xf32> to vector<1x16xf32>
      %get3A_308 = arith.constant 0 : index
      %get3A_309 = arith.constant 0 : index
      %get3A_310 = arith.constant 0 : index
      %get3A_311 = vector.load %arg23[%get3A_308, %get3A_309, %get3A_310] : memref<1x1x16xf32, #tpu.memory_space<vmem>>, vector<1x1x16xf32>
      %get3A_312 = vector.shape_cast %get3A_311 : vector<1x1x16xf32> to vector<1x16xf32>
      %get3A_313 = arith.constant 0 : index
      %get3A_314 = arith.constant 0 : index
      %get3A_315 = arith.constant 0 : index
      %get3A_316 = vector.load %arg33[%get3A_313, %get3A_314, %get3A_315] : memref<1x1x16xf32, #tpu.memory_space<vmem>>, vector<1x1x16xf32>
      %get3A_317 = vector.shape_cast %get3A_316 : vector<1x1x16xf32> to vector<1x16xf32>
      %get3A_318 = arith.constant 0 : index
      %get3A_319 = arith.constant 0 : index
      %get3A_320 = arith.constant 0 : index
      %get3A_321 = vector.load %arg43[%get3A_318, %get3A_319, %get3A_320] : memref<1x1x16xf32, #tpu.memory_space<vmem>>, vector<1x1x16xf32>
      %get3A_322 = vector.shape_cast %get3A_321 : vector<1x1x16xf32> to vector<1x16xf32>
      %concatenate3A_323 = tpu.concatenate %get3A_307, %get3A_312, %get3A_317, %get3A_322 in 1 : vector<1x16xf32>, vector<1x16xf32>, vector<1x16xf32>, vector<1x16xf32> -> vector<1x64xf32>
      %add3A_324 = vector.broadcast %concatenate3A_323 : vector<1x64xf32> to vector<256x64xf32>
      %add3A_325 = arith.addf %dot_general3A_302, %add3A_324 : vector<256x64xf32>
      %slice3A = vector.extract_strided_slice %add3A_325 {offsets = [0, 0], sizes = [256, 16], strides = [1, 1]} : vector<256x64xf32> to vector<256x16xf32>
      %swap3A_326 = arith.constant 0 : index
      %swap3A_327 = arith.constant 0 : index
      %swap3A_328 = vector.load %arg44[%swap3A_326, %swap3A_327] : memref<1024x16xf32, #tpu.memory_space<vmem>>, vector<256x16xf32>
      tpu.vector_store %arg44[%swap3A_326, %swap3A_327], %slice3A {strides = array<i32>} : memref<1024x16xf32, #tpu.memory_space<vmem>>, vector<256x16xf32>,
      %slice3A_329 = vector.extract_strided_slice %add3A_325 {offsets = [0, 16], sizes = [256, 16], strides = [1, 1]} : vector<256x64xf32> to vector<256x16xf32>
      %swap3A_330 = arith.constant 256 : index
      %swap3A_331 = arith.constant 0 : index
      %swap3A_332 = vector.load %arg44[%swap3A_330, %swap3A_331] : memref<1024x16xf32, #tpu.memory_space<vmem>>, vector<256x16xf32>
      tpu.vector_store %arg44[%swap3A_330, %swap3A_331], %slice3A_329 {strides = array<i32>} : memref<1024x16xf32, #tpu.memory_space<vmem>>, vector<256x16xf32>,
      %slice3A_333 = vector.extract_strided_slice %add3A_325 {offsets = [0, 32], sizes = [256, 16], strides = [1, 1]} : vector<256x64xf32> to vector<256x16xf32>
      %swap3A_334 = arith.constant 512 : index
      %swap3A_335 = arith.constant 0 : index
      %swap3A_336 = vector.load %arg44[%swap3A_334, %swap3A_335] : memref<1024x16xf32, #tpu.memory_space<vmem>>, vector<256x16xf32>
      tpu.vector_store %arg44[%swap3A_334, %swap3A_335], %slice3A_333 {strides = array<i32>} : memref<1024x16xf32, #tpu.memory_space<vmem>>, vector<256x16xf32>,
      %slice3A_337 = vector.extract_strided_slice %add3A_325 {offsets = [0, 48], sizes = [256, 16], strides = [1, 1]} : vector<256x64xf32> to vector<256x16xf32>
      %swap3A_338 = arith.constant 768 : index
      %swap3A_339 = arith.constant 0 : index
      %swap3A_340 = vector.load %arg44[%swap3A_338, %swap3A_339] : memref<1024x16xf32, #tpu.memory_space<vmem>>, vector<256x16xf32>
      tpu.vector_store %arg44[%swap3A_338, %swap3A_339], %slice3A_337 {strides = array<i32>} : memref<1024x16xf32, #tpu.memory_space<vmem>>, vector<256x16xf32>,
    } else {
    }
    return
  }
  func.func @transform_0(%arg0: i32, %arg1: memref<128xi32, #tpu.memory_space<smem>>, %arg2: memref<1xi32, #tpu.memory_space<smem>>) -> (i32, i32) {
    %c0_i32 = arith.constant 0 : i32
    %c0_i32_0 = arith.constant 0 : i32
    return %arg0, %c0_i32 : i32, i32
  }
  func.func @transform_1(%arg0: i32, %arg1: memref<128xi32, #tpu.memory_space<smem>>, %arg2: memref<1xi32, #tpu.memory_space<smem>>) -> (i32, i32, i32) {
    %mul3A = arith.constant 4 : i32
    %mul3A_0 = arith.muli %mul3A, %arg0 : i32
    %add3A = arith.constant 0 : i32
    %add3A_1 = arith.addi %mul3A_0, %add3A : i32
    %get3A = arith.index_cast %add3A_1 : i32 to index
    %get3A_2 = memref.load %arg1[%get3A] : memref<128xi32, #tpu.memory_space<smem>>
    %c0_i32 = arith.constant 0 : i32
    %c0_i32_3 = arith.constant 0 : i32
    %c0_i32_4 = arith.constant 0 : i32
    return %get3A_2, %c0_i32, %c0_i32_3 : i32, i32, i32
  }
  func.func @transform_2(%arg0: i32, %arg1: memref<128xi32, #tpu.memory_space<smem>>, %arg2: memref<1xi32, #tpu.memory_space<smem>>) -> (i32, i32, i32) {
    %mul3A = arith.constant 4 : i32
    %mul3A_0 = arith.muli %mul3A, %arg0 : i32
    %add3A = arith.constant 0 : i32
    %add3A_1 = arith.addi %mul3A_0, %add3A : i32
    %get3A = arith.index_cast %add3A_1 : i32 to index
    %get3A_2 = memref.load %arg1[%get3A] : memref<128xi32, #tpu.memory_space<smem>>
    %c0_i32 = arith.constant 0 : i32
    %c0_i32_3 = arith.constant 0 : i32
    %c0_i32_4 = arith.constant 0 : i32
    return %get3A_2, %c0_i32, %c0_i32_3 : i32, i32, i32
  }
  func.func @transform_3(%arg0: i32, %arg1: memref<128xi32, #tpu.memory_space<smem>>, %arg2: memref<1xi32, #tpu.memory_space<smem>>) -> (i32, i32, i32) {
    %mul3A = arith.constant 4 : i32
    %mul3A_0 = arith.muli %mul3A, %arg0 : i32
    %add3A = arith.constant 0 : i32
    %add3A_1 = arith.addi %mul3A_0, %add3A : i32
    %get3A = arith.index_cast %add3A_1 : i32 to index
    %get3A_2 = memref.load %arg1[%get3A] : memref<128xi32, #tpu.memory_space<smem>>
    %c0_i32 = arith.constant 0 : i32
    %c0_i32_3 = arith.constant 0 : i32
    %c0_i32_4 = arith.constant 0 : i32
    return %get3A_2, %c0_i32, %c0_i32_3 : i32, i32, i32
  }
  func.func @transform_4(%arg0: i32, %arg1: memref<128xi32, #tpu.memory_space<smem>>, %arg2: memref<1xi32, #tpu.memory_space<smem>>) -> (i32, i32, i32) {
    %mul3A = arith.constant 4 : i32
    %mul3A_0 = arith.muli %mul3A, %arg0 : i32
    %add3A = arith.constant 0 : i32
    %add3A_1 = arith.addi %mul3A_0, %add3A : i32
    %get3A = arith.index_cast %add3A_1 : i32 to index
    %get3A_2 = memref.load %arg1[%get3A] : memref<128xi32, #tpu.memory_space<smem>>
    %c0_i32 = arith.constant 0 : i32
    %c0_i32_3 = arith.constant 0 : i32
    %c0_i32_4 = arith.constant 0 : i32
    return %get3A_2, %c0_i32, %c0_i32_3 : i32, i32, i32
  }
  func.func @transform_5(%arg0: i32, %arg1: memref<128xi32, #tpu.memory_space<smem>>, %arg2: memref<1xi32, #tpu.memory_space<smem>>) -> (i32, i32, i32) {
    %mul3A = arith.constant 4 : i32
    %mul3A_0 = arith.muli %mul3A, %arg0 : i32
    %add3A = arith.constant 0 : i32
    %add3A_1 = arith.addi %mul3A_0, %add3A : i32
    %get3A = arith.index_cast %add3A_1 : i32 to index
    %get3A_2 = memref.load %arg1[%get3A] : memref<128xi32, #tpu.memory_space<smem>>
    %c0_i32 = arith.constant 0 : i32
    %c0_i32_3 = arith.constant 0 : i32
    %c0_i32_4 = arith.constant 0 : i32
    return %get3A_2, %c0_i32, %c0_i32_3 : i32, i32, i32
  }
  func.func @transform_6(%arg0: i32, %arg1: memref<128xi32, #tpu.memory_space<smem>>, %arg2: memref<1xi32, #tpu.memory_space<smem>>) -> (i32, i32, i32) {
    %mul3A = arith.constant 4 : i32
    %mul3A_0 = arith.muli %mul3A, %arg0 : i32
    %add3A = arith.constant 0 : i32
    %add3A_1 = arith.addi %mul3A_0, %add3A : i32
    %get3A = arith.index_cast %add3A_1 : i32 to index
    %get3A_2 = memref.load %arg1[%get3A] : memref<128xi32, #tpu.memory_space<smem>>
    %c0_i32 = arith.constant 0 : i32
    %c0_i32_3 = arith.constant 0 : i32
    %c0_i32_4 = arith.constant 0 : i32
    return %get3A_2, %c0_i32, %c0_i32_3 : i32, i32, i32
  }
  func.func @transform_7(%arg0: i32, %arg1: memref<128xi32, #tpu.memory_space<smem>>, %arg2: memref<1xi32, #tpu.memory_space<smem>>) -> (i32, i32, i32) {
    %mul3A = arith.constant 4 : i32
    %mul3A_0 = arith.muli %mul3A, %arg0 : i32
    %add3A = arith.constant 0 : i32
    %add3A_1 = arith.addi %mul3A_0, %add3A : i32
    %get3A = arith.index_cast %add3A_1 : i32 to index
    %get3A_2 = memref.load %arg1[%get3A] : memref<128xi32, #tpu.memory_space<smem>>
    %c0_i32 = arith.constant 0 : i32
    %c0_i32_3 = arith.constant 0 : i32
    %c0_i32_4 = arith.constant 0 : i32
    return %get3A_2, %c0_i32, %c0_i32_3 : i32, i32, i32
  }
  func.func @transform_8(%arg0: i32, %arg1: memref<128xi32, #tpu.memory_space<smem>>, %arg2: memref<1xi32, #tpu.memory_space<smem>>) -> (i32, i32, i32) {
    %mul3A = arith.constant 4 : i32
    %mul3A_0 = arith.muli %mul3A, %arg0 : i32
    %add3A = arith.constant 0 : i32
    %add3A_1 = arith.addi %mul3A_0, %add3A : i32
    %get3A = arith.index_cast %add3A_1 : i32 to index
    %get3A_2 = memref.load %arg1[%get3A] : memref<128xi32, #tpu.memory_space<smem>>
    %c0_i32 = arith.constant 0 : i32
    %c0_i32_3 = arith.constant 0 : i32
    %c0_i32_4 = arith.constant 0 : i32
    return %get3A_2, %c0_i32, %c0_i32_3 : i32, i32, i32
  }
  func.func @transform_9(%arg0: i32, %arg1: memref<128xi32, #tpu.memory_space<smem>>, %arg2: memref<1xi32, #tpu.memory_space<smem>>) -> (i32, i32, i32) {
    %mul3A = arith.constant 4 : i32
    %mul3A_0 = arith.muli %mul3A, %arg0 : i32
    %add3A = arith.constant 0 : i32
    %add3A_1 = arith.addi %mul3A_0, %add3A : i32
    %get3A = arith.index_cast %add3A_1 : i32 to index
    %get3A_2 = memref.load %arg1[%get3A] : memref<128xi32, #tpu.memory_space<smem>>
    %c0_i32 = arith.constant 0 : i32
    %c0_i32_3 = arith.constant 0 : i32
    %c0_i32_4 = arith.constant 0 : i32
    return %get3A_2, %c0_i32, %c0_i32_3 : i32, i32, i32
  }
  func.func @transform_10(%arg0: i32, %arg1: memref<128xi32, #tpu.memory_space<smem>>, %arg2: memref<1xi32, #tpu.memory_space<smem>>) -> (i32, i32, i32) {
    %mul3A = arith.constant 4 : i32
    %mul3A_0 = arith.muli %mul3A, %arg0 : i32
    %add3A = arith.constant 0 : i32
    %add3A_1 = arith.addi %mul3A_0, %add3A : i32
    %get3A = arith.index_cast %add3A_1 : i32 to index
    %get3A_2 = memref.load %arg1[%get3A] : memref<128xi32, #tpu.memory_space<smem>>
    %c0_i32 = arith.constant 0 : i32
    %c0_i32_3 = arith.constant 0 : i32
    %c0_i32_4 = arith.constant 0 : i32
    return %get3A_2, %c0_i32, %c0_i32_3 : i32, i32, i32
  }
  func.func @transform_11(%arg0: i32, %arg1: memref<128xi32, #tpu.memory_space<smem>>, %arg2: memref<1xi32, #tpu.memory_space<smem>>) -> (i32, i32, i32) {
    %mul3A = arith.constant 4 : i32
    %mul3A_0 = arith.muli %mul3A, %arg0 : i32
    %add3A = arith.constant 1 : i32
    %add3A_1 = arith.addi %mul3A_0, %add3A : i32
    %get3A = arith.index_cast %add3A_1 : i32 to index
    %get3A_2 = memref.load %arg1[%get3A] : memref<128xi32, #tpu.memory_space<smem>>
    %c0_i32 = arith.constant 0 : i32
    %c0_i32_3 = arith.constant 0 : i32
    %c0_i32_4 = arith.constant 0 : i32
    return %get3A_2, %c0_i32, %c0_i32_3 : i32, i32, i32
  }
  func.func @transform_12(%arg0: i32, %arg1: memref<128xi32, #tpu.memory_space<smem>>, %arg2: memref<1xi32, #tpu.memory_space<smem>>) -> (i32, i32, i32) {
    %mul3A = arith.constant 4 : i32
    %mul3A_0 = arith.muli %mul3A, %arg0 : i32
    %add3A = arith.constant 1 : i32
    %add3A_1 = arith.addi %mul3A_0, %add3A : i32
    %get3A = arith.index_cast %add3A_1 : i32 to index
    %get3A_2 = memref.load %arg1[%get3A] : memref<128xi32, #tpu.memory_space<smem>>
    %c0_i32 = arith.constant 0 : i32
    %c0_i32_3 = arith.constant 0 : i32
    %c0_i32_4 = arith.constant 0 : i32
    return %get3A_2, %c0_i32, %c0_i32_3 : i32, i32, i32
  }
  func.func @transform_13(%arg0: i32, %arg1: memref<128xi32, #tpu.memory_space<smem>>, %arg2: memref<1xi32, #tpu.memory_space<smem>>) -> (i32, i32, i32) {
    %mul3A = arith.constant 4 : i32
    %mul3A_0 = arith.muli %mul3A, %arg0 : i32
    %add3A = arith.constant 1 : i32
    %add3A_1 = arith.addi %mul3A_0, %add3A : i32
    %get3A = arith.index_cast %add3A_1 : i32 to index
    %get3A_2 = memref.load %arg1[%get3A] : memref<128xi32, #tpu.memory_space<smem>>
    %c0_i32 = arith.constant 0 : i32
    %c0_i32_3 = arith.constant 0 : i32
    %c0_i32_4 = arith.constant 0 : i32
    return %get3A_2, %c0_i32, %c0_i32_3 : i32, i32, i32
  }
  func.func @transform_14(%arg0: i32, %arg1: memref<128xi32, #tpu.memory_space<smem>>, %arg2: memref<1xi32, #tpu.memory_space<smem>>) -> (i32, i32, i32) {
    %mul3A = arith.constant 4 : i32
    %mul3A_0 = arith.muli %mul3A, %arg0 : i32
    %add3A = arith.constant 1 : i32
    %add3A_1 = arith.addi %mul3A_0, %add3A : i32
    %get3A = arith.index_cast %add3A_1 : i32 to index
    %get3A_2 = memref.load %arg1[%get3A] : memref<128xi32, #tpu.memory_space<smem>>
    %c0_i32 = arith.constant 0 : i32
    %c0_i32_3 = arith.constant 0 : i32
    %c0_i32_4 = arith.constant 0 : i32
    return %get3A_2, %c0_i32, %c0_i32_3 : i32, i32, i32
  }
  func.func @transform_15(%arg0: i32, %arg1: memref<128xi32, #tpu.memory_space<smem>>, %arg2: memref<1xi32, #tpu.memory_space<smem>>) -> (i32, i32, i32) {
    %mul3A = arith.constant 4 : i32
    %mul3A_0 = arith.muli %mul3A, %arg0 : i32
    %add3A = arith.constant 1 : i32
    %add3A_1 = arith.addi %mul3A_0, %add3A : i32
    %get3A = arith.index_cast %add3A_1 : i32 to index
    %get3A_2 = memref.load %arg1[%get3A] : memref<128xi32, #tpu.memory_space<smem>>
    %c0_i32 = arith.constant 0 : i32
    %c0_i32_3 = arith.constant 0 : i32
    %c0_i32_4 = arith.constant 0 : i32
    return %get3A_2, %c0_i32, %c0_i32_3 : i32, i32, i32
  }
  func.func @transform_16(%arg0: i32, %arg1: memref<128xi32, #tpu.memory_space<smem>>, %arg2: memref<1xi32, #tpu.memory_space<smem>>) -> (i32, i32, i32) {
    %mul3A = arith.constant 4 : i32
    %mul3A_0 = arith.muli %mul3A, %arg0 : i32
    %add3A = arith.constant 1 : i32
    %add3A_1 = arith.addi %mul3A_0, %add3A : i32
    %get3A = arith.index_cast %add3A_1 : i32 to index
    %get3A_2 = memref.load %arg1[%get3A] : memref<128xi32, #tpu.memory_space<smem>>
    %c0_i32 = arith.constant 0 : i32
    %c0_i32_3 = arith.constant 0 : i32
    %c0_i32_4 = arith.constant 0 : i32
    return %get3A_2, %c0_i32, %c0_i32_3 : i32, i32, i32
  }
  func.func @transform_17(%arg0: i32, %arg1: memref<128xi32, #tpu.memory_space<smem>>, %arg2: memref<1xi32, #tpu.memory_space<smem>>) -> (i32, i32, i32) {
    %mul3A = arith.constant 4 : i32
    %mul3A_0 = arith.muli %mul3A, %arg0 : i32
    %add3A = arith.constant 1 : i32
    %add3A_1 = arith.addi %mul3A_0, %add3A : i32
    %get3A = arith.index_cast %add3A_1 : i32 to index
    %get3A_2 = memref.load %arg1[%get3A] : memref<128xi32, #tpu.memory_space<smem>>
    %c0_i32 = arith.constant 0 : i32
    %c0_i32_3 = arith.constant 0 : i32
    %c0_i32_4 = arith.constant 0 : i32
    return %get3A_2, %c0_i32, %c0_i32_3 : i32, i32, i32
  }
  func.func @transform_18(%arg0: i32, %arg1: memref<128xi32, #tpu.memory_space<smem>>, %arg2: memref<1xi32, #tpu.memory_space<smem>>) -> (i32, i32, i32) {
    %mul3A = arith.constant 4 : i32
    %mul3A_0 = arith.muli %mul3A, %arg0 : i32
    %add3A = arith.constant 1 : i32
    %add3A_1 = arith.addi %mul3A_0, %add3A : i32
    %get3A = arith.index_cast %add3A_1 : i32 to index
    %get3A_2 = memref.load %arg1[%get3A] : memref<128xi32, #tpu.memory_space<smem>>
    %c0_i32 = arith.constant 0 : i32
    %c0_i32_3 = arith.constant 0 : i32
    %c0_i32_4 = arith.constant 0 : i32
    return %get3A_2, %c0_i32, %c0_i32_3 : i32, i32, i32
  }
  func.func @transform_19(%arg0: i32, %arg1: memref<128xi32, #tpu.memory_space<smem>>, %arg2: memref<1xi32, #tpu.memory_space<smem>>) -> (i32, i32, i32) {
    %mul3A = arith.constant 4 : i32
    %mul3A_0 = arith.muli %mul3A, %arg0 : i32
    %add3A = arith.constant 1 : i32
    %add3A_1 = arith.addi %mul3A_0, %add3A : i32
    %get3A = arith.index_cast %add3A_1 : i32 to index
    %get3A_2 = memref.load %arg1[%get3A] : memref<128xi32, #tpu.memory_space<smem>>
    %c0_i32 = arith.constant 0 : i32
    %c0_i32_3 = arith.constant 0 : i32
    %c0_i32_4 = arith.constant 0 : i32
    return %get3A_2, %c0_i32, %c0_i32_3 : i32, i32, i32
  }
  func.func @transform_20(%arg0: i32, %arg1: memref<128xi32, #tpu.memory_space<smem>>, %arg2: memref<1xi32, #tpu.memory_space<smem>>) -> (i32, i32, i32) {
    %mul3A = arith.constant 4 : i32
    %mul3A_0 = arith.muli %mul3A, %arg0 : i32
    %add3A = arith.constant 1 : i32
    %add3A_1 = arith.addi %mul3A_0, %add3A : i32
    %get3A = arith.index_cast %add3A_1 : i32 to index
    %get3A_2 = memref.load %arg1[%get3A] : memref<128xi32, #tpu.memory_space<smem>>
    %c0_i32 = arith.constant 0 : i32
    %c0_i32_3 = arith.constant 0 : i32
    %c0_i32_4 = arith.constant 0 : i32
    return %get3A_2, %c0_i32, %c0_i32_3 : i32, i32, i32
  }
  func.func @transform_21(%arg0: i32, %arg1: memref<128xi32, #tpu.memory_space<smem>>, %arg2: memref<1xi32, #tpu.memory_space<smem>>) -> (i32, i32, i32) {
    %mul3A = arith.constant 4 : i32
    %mul3A_0 = arith.muli %mul3A, %arg0 : i32
    %add3A = arith.constant 2 : i32
    %add3A_1 = arith.addi %mul3A_0, %add3A : i32
    %get3A = arith.index_cast %add3A_1 : i32 to index
    %get3A_2 = memref.load %arg1[%get3A] : memref<128xi32, #tpu.memory_space<smem>>
    %c0_i32 = arith.constant 0 : i32
    %c0_i32_3 = arith.constant 0 : i32
    %c0_i32_4 = arith.constant 0 : i32
    return %get3A_2, %c0_i32, %c0_i32_3 : i32, i32, i32
  }
  func.func @transform_22(%arg0: i32, %arg1: memref<128xi32, #tpu.memory_space<smem>>, %arg2: memref<1xi32, #tpu.memory_space<smem>>) -> (i32, i32, i32) {
    %mul3A = arith.constant 4 : i32
    %mul3A_0 = arith.muli %mul3A, %arg0 : i32
    %add3A = arith.constant 2 : i32
    %add3A_1 = arith.addi %mul3A_0, %add3A : i32
    %get3A = arith.index_cast %add3A_1 : i32 to index
    %get3A_2 = memref.load %arg1[%get3A] : memref<128xi32, #tpu.memory_space<smem>>
    %c0_i32 = arith.constant 0 : i32
    %c0_i32_3 = arith.constant 0 : i32
    %c0_i32_4 = arith.constant 0 : i32
    return %get3A_2, %c0_i32, %c0_i32_3 : i32, i32, i32
  }
  func.func @transform_23(%arg0: i32, %arg1: memref<128xi32, #tpu.memory_space<smem>>, %arg2: memref<1xi32, #tpu.memory_space<smem>>) -> (i32, i32, i32) {
    %mul3A = arith.constant 4 : i32
    %mul3A_0 = arith.muli %mul3A, %arg0 : i32
    %add3A = arith.constant 2 : i32
    %add3A_1 = arith.addi %mul3A_0, %add3A : i32
    %get3A = arith.index_cast %add3A_1 : i32 to index
    %get3A_2 = memref.load %arg1[%get3A] : memref<128xi32, #tpu.memory_space<smem>>
    %c0_i32 = arith.constant 0 : i32
    %c0_i32_3 = arith.constant 0 : i32
    %c0_i32_4 = arith.constant 0 : i32
    return %get3A_2, %c0_i32, %c0_i32_3 : i32, i32, i32
  }
  func.func @transform_24(%arg0: i32, %arg1: memref<128xi32, #tpu.memory_space<smem>>, %arg2: memref<1xi32, #tpu.memory_space<smem>>) -> (i32, i32, i32) {
    %mul3A = arith.constant 4 : i32
    %mul3A_0 = arith.muli %mul3A, %arg0 : i32
    %add3A = arith.constant 2 : i32
    %add3A_1 = arith.addi %mul3A_0, %add3A : i32
    %get3A = arith.index_cast %add3A_1 : i32 to index
    %get3A_2 = memref.load %arg1[%get3A] : memref<128xi32, #tpu.memory_space<smem>>
    %c0_i32 = arith.constant 0 : i32
    %c0_i32_3 = arith.constant 0 : i32
    %c0_i32_4 = arith.constant 0 : i32
    return %get3A_2, %c0_i32, %c0_i32_3 : i32, i32, i32
  }
  func.func @transform_25(%arg0: i32, %arg1: memref<128xi32, #tpu.memory_space<smem>>, %arg2: memref<1xi32, #tpu.memory_space<smem>>) -> (i32, i32, i32) {
    %mul3A = arith.constant 4 : i32
    %mul3A_0 = arith.muli %mul3A, %arg0 : i32
    %add3A = arith.constant 2 : i32
    %add3A_1 = arith.addi %mul3A_0, %add3A : i32
    %get3A = arith.index_cast %add3A_1 : i32 to index
    %get3A_2 = memref.load %arg1[%get3A] : memref<128xi32, #tpu.memory_space<smem>>
    %c0_i32 = arith.constant 0 : i32
    %c0_i32_3 = arith.constant 0 : i32
    %c0_i32_4 = arith.constant 0 : i32
    return %get3A_2, %c0_i32, %c0_i32_3 : i32, i32, i32
  }
  func.func @transform_26(%arg0: i32, %arg1: memref<128xi32, #tpu.memory_space<smem>>, %arg2: memref<1xi32, #tpu.memory_space<smem>>) -> (i32, i32, i32) {
    %mul3A = arith.constant 4 : i32
    %mul3A_0 = arith.muli %mul3A, %arg0 : i32
    %add3A = arith.constant 2 : i32
    %add3A_1 = arith.addi %mul3A_0, %add3A : i32
    %get3A = arith.index_cast %add3A_1 : i32 to index
    %get3A_2 = memref.load %arg1[%get3A] : memref<128xi32, #tpu.memory_space<smem>>
    %c0_i32 = arith.constant 0 : i32
    %c0_i32_3 = arith.constant 0 : i32
    %c0_i32_4 = arith.constant 0 : i32
    return %get3A_2, %c0_i32, %c0_i32_3 : i32, i32, i32
  }
  func.func @transform_27(%arg0: i32, %arg1: memref<128xi32, #tpu.memory_space<smem>>, %arg2: memref<1xi32, #tpu.memory_space<smem>>) -> (i32, i32, i32) {
    %mul3A = arith.constant 4 : i32
    %mul3A_0 = arith.muli %mul3A, %arg0 : i32
    %add3A = arith.constant 2 : i32
    %add3A_1 = arith.addi %mul3A_0, %add3A : i32
    %get3A = arith.index_cast %add3A_1 : i32 to index
    %get3A_2 = memref.load %arg1[%get3A] : memref<128xi32, #tpu.memory_space<smem>>
    %c0_i32 = arith.constant 0 : i32
    %c0_i32_3 = arith.constant 0 : i32
    %c0_i32_4 = arith.constant 0 : i32
    return %get3A_2, %c0_i32, %c0_i32_3 : i32, i32, i32
  }
  func.func @transform_28(%arg0: i32, %arg1: memref<128xi32, #tpu.memory_space<smem>>, %arg2: memref<1xi32, #tpu.memory_space<smem>>) -> (i32, i32, i32) {
    %mul3A = arith.constant 4 : i32
    %mul3A_0 = arith.muli %mul3A, %arg0 : i32
    %add3A = arith.constant 2 : i32
    %add3A_1 = arith.addi %mul3A_0, %add3A : i32
    %get3A = arith.index_cast %add3A_1 : i32 to index
    %get3A_2 = memref.load %arg1[%get3A] : memref<128xi32, #tpu.memory_space<smem>>
    %c0_i32 = arith.constant 0 : i32
    %c0_i32_3 = arith.constant 0 : i32
    %c0_i32_4 = arith.constant 0 : i32
    return %get3A_2, %c0_i32, %c0_i32_3 : i32, i32, i32
  }
  func.func @transform_29(%arg0: i32, %arg1: memref<128xi32, #tpu.memory_space<smem>>, %arg2: memref<1xi32, #tpu.memory_space<smem>>) -> (i32, i32, i32) {
    %mul3A = arith.constant 4 : i32
    %mul3A_0 = arith.muli %mul3A, %arg0 : i32
    %add3A = arith.constant 2 : i32
    %add3A_1 = arith.addi %mul3A_0, %add3A : i32
    %get3A = arith.index_cast %add3A_1 : i32 to index
    %get3A_2 = memref.load %arg1[%get3A] : memref<128xi32, #tpu.memory_space<smem>>
    %c0_i32 = arith.constant 0 : i32
    %c0_i32_3 = arith.constant 0 : i32
    %c0_i32_4 = arith.constant 0 : i32
    return %get3A_2, %c0_i32, %c0_i32_3 : i32, i32, i32
  }
  func.func @transform_30(%arg0: i32, %arg1: memref<128xi32, #tpu.memory_space<smem>>, %arg2: memref<1xi32, #tpu.memory_space<smem>>) -> (i32, i32, i32) {
    %mul3A = arith.constant 4 : i32
    %mul3A_0 = arith.muli %mul3A, %arg0 : i32
    %add3A = arith.constant 2 : i32
    %add3A_1 = arith.addi %mul3A_0, %add3A : i32
    %get3A = arith.index_cast %add3A_1 : i32 to index
    %get3A_2 = memref.load %arg1[%get3A] : memref<128xi32, #tpu.memory_space<smem>>
    %c0_i32 = arith.constant 0 : i32
    %c0_i32_3 = arith.constant 0 : i32
    %c0_i32_4 = arith.constant 0 : i32
    return %get3A_2, %c0_i32, %c0_i32_3 : i32, i32, i32
  }
  func.func @transform_31(%arg0: i32, %arg1: memref<128xi32, #tpu.memory_space<smem>>, %arg2: memref<1xi32, #tpu.memory_space<smem>>) -> (i32, i32, i32) {
    %mul3A = arith.constant 4 : i32
    %mul3A_0 = arith.muli %mul3A, %arg0 : i32
    %add3A = arith.constant 3 : i32
    %add3A_1 = arith.addi %mul3A_0, %add3A : i32
    %get3A = arith.index_cast %add3A_1 : i32 to index
    %get3A_2 = memref.load %arg1[%get3A] : memref<128xi32, #tpu.memory_space<smem>>
    %c0_i32 = arith.constant 0 : i32
    %c0_i32_3 = arith.constant 0 : i32
    %c0_i32_4 = arith.constant 0 : i32
    return %get3A_2, %c0_i32, %c0_i32_3 : i32, i32, i32
  }
  func.func @transform_32(%arg0: i32, %arg1: memref<128xi32, #tpu.memory_space<smem>>, %arg2: memref<1xi32, #tpu.memory_space<smem>>) -> (i32, i32, i32) {
    %mul3A = arith.constant 4 : i32
    %mul3A_0 = arith.muli %mul3A, %arg0 : i32
    %add3A = arith.constant 3 : i32
    %add3A_1 = arith.addi %mul3A_0, %add3A : i32
    %get3A = arith.index_cast %add3A_1 : i32 to index
    %get3A_2 = memref.load %arg1[%get3A] : memref<128xi32, #tpu.memory_space<smem>>
    %c0_i32 = arith.constant 0 : i32
    %c0_i32_3 = arith.constant 0 : i32
    %c0_i32_4 = arith.constant 0 : i32
    return %get3A_2, %c0_i32, %c0_i32_3 : i32, i32, i32
  }
  func.func @transform_33(%arg0: i32, %arg1: memref<128xi32, #tpu.memory_space<smem>>, %arg2: memref<1xi32, #tpu.memory_space<smem>>) -> (i32, i32, i32) {
    %mul3A = arith.constant 4 : i32
    %mul3A_0 = arith.muli %mul3A, %arg0 : i32
    %add3A = arith.constant 3 : i32
    %add3A_1 = arith.addi %mul3A_0, %add3A : i32
    %get3A = arith.index_cast %add3A_1 : i32 to index
    %get3A_2 = memref.load %arg1[%get3A] : memref<128xi32, #tpu.memory_space<smem>>
    %c0_i32 = arith.constant 0 : i32
    %c0_i32_3 = arith.constant 0 : i32
    %c0_i32_4 = arith.constant 0 : i32
    return %get3A_2, %c0_i32, %c0_i32_3 : i32, i32, i32
  }
  func.func @transform_34(%arg0: i32, %arg1: memref<128xi32, #tpu.memory_space<smem>>, %arg2: memref<1xi32, #tpu.memory_space<smem>>) -> (i32, i32, i32) {
    %mul3A = arith.constant 4 : i32
    %mul3A_0 = arith.muli %mul3A, %arg0 : i32
    %add3A = arith.constant 3 : i32
    %add3A_1 = arith.addi %mul3A_0, %add3A : i32
    %get3A = arith.index_cast %add3A_1 : i32 to index
    %get3A_2 = memref.load %arg1[%get3A] : memref<128xi32, #tpu.memory_space<smem>>
    %c0_i32 = arith.constant 0 : i32
    %c0_i32_3 = arith.constant 0 : i32
    %c0_i32_4 = arith.constant 0 : i32
    return %get3A_2, %c0_i32, %c0_i32_3 : i32, i32, i32
  }
  func.func @transform_35(%arg0: i32, %arg1: memref<128xi32, #tpu.memory_space<smem>>, %arg2: memref<1xi32, #tpu.memory_space<smem>>) -> (i32, i32, i32) {
    %mul3A = arith.constant 4 : i32
    %mul3A_0 = arith.muli %mul3A, %arg0 : i32
    %add3A = arith.constant 3 : i32
    %add3A_1 = arith.addi %mul3A_0, %add3A : i32
    %get3A = arith.index_cast %add3A_1 : i32 to index
    %get3A_2 = memref.load %arg1[%get3A] : memref<128xi32, #tpu.memory_space<smem>>
    %c0_i32 = arith.constant 0 : i32
    %c0_i32_3 = arith.constant 0 : i32
    %c0_i32_4 = arith.constant 0 : i32
    return %get3A_2, %c0_i32, %c0_i32_3 : i32, i32, i32
  }
  func.func @transform_36(%arg0: i32, %arg1: memref<128xi32, #tpu.memory_space<smem>>, %arg2: memref<1xi32, #tpu.memory_space<smem>>) -> (i32, i32, i32) {
    %mul3A = arith.constant 4 : i32
    %mul3A_0 = arith.muli %mul3A, %arg0 : i32
    %add3A = arith.constant 3 : i32
    %add3A_1 = arith.addi %mul3A_0, %add3A : i32
    %get3A = arith.index_cast %add3A_1 : i32 to index
    %get3A_2 = memref.load %arg1[%get3A] : memref<128xi32, #tpu.memory_space<smem>>
    %c0_i32 = arith.constant 0 : i32
    %c0_i32_3 = arith.constant 0 : i32
    %c0_i32_4 = arith.constant 0 : i32
    return %get3A_2, %c0_i32, %c0_i32_3 : i32, i32, i32
  }
  func.func @transform_37(%arg0: i32, %arg1: memref<128xi32, #tpu.memory_space<smem>>, %arg2: memref<1xi32, #tpu.memory_space<smem>>) -> (i32, i32, i32) {
    %mul3A = arith.constant 4 : i32
    %mul3A_0 = arith.muli %mul3A, %arg0 : i32
    %add3A = arith.constant 3 : i32
    %add3A_1 = arith.addi %mul3A_0, %add3A : i32
    %get3A = arith.index_cast %add3A_1 : i32 to index
    %get3A_2 = memref.load %arg1[%get3A] : memref<128xi32, #tpu.memory_space<smem>>
    %c0_i32 = arith.constant 0 : i32
    %c0_i32_3 = arith.constant 0 : i32
    %c0_i32_4 = arith.constant 0 : i32
    return %get3A_2, %c0_i32, %c0_i32_3 : i32, i32, i32
  }
  func.func @transform_38(%arg0: i32, %arg1: memref<128xi32, #tpu.memory_space<smem>>, %arg2: memref<1xi32, #tpu.memory_space<smem>>) -> (i32, i32, i32) {
    %mul3A = arith.constant 4 : i32
    %mul3A_0 = arith.muli %mul3A, %arg0 : i32
    %add3A = arith.constant 3 : i32
    %add3A_1 = arith.addi %mul3A_0, %add3A : i32
    %get3A = arith.index_cast %add3A_1 : i32 to index
    %get3A_2 = memref.load %arg1[%get3A] : memref<128xi32, #tpu.memory_space<smem>>
    %c0_i32 = arith.constant 0 : i32
    %c0_i32_3 = arith.constant 0 : i32
    %c0_i32_4 = arith.constant 0 : i32
    return %get3A_2, %c0_i32, %c0_i32_3 : i32, i32, i32
  }
  func.func @transform_39(%arg0: i32, %arg1: memref<128xi32, #tpu.memory_space<smem>>, %arg2: memref<1xi32, #tpu.memory_space<smem>>) -> (i32, i32, i32) {
    %mul3A = arith.constant 4 : i32
    %mul3A_0 = arith.muli %mul3A, %arg0 : i32
    %add3A = arith.constant 3 : i32
    %add3A_1 = arith.addi %mul3A_0, %add3A : i32
    %get3A = arith.index_cast %add3A_1 : i32 to index
    %get3A_2 = memref.load %arg1[%get3A] : memref<128xi32, #tpu.memory_space<smem>>
    %c0_i32 = arith.constant 0 : i32
    %c0_i32_3 = arith.constant 0 : i32
    %c0_i32_4 = arith.constant 0 : i32
    return %get3A_2, %c0_i32, %c0_i32_3 : i32, i32, i32
  }
  func.func @transform_40(%arg0: i32, %arg1: memref<128xi32, #tpu.memory_space<smem>>, %arg2: memref<1xi32, #tpu.memory_space<smem>>) -> (i32, i32, i32) {
    %mul3A = arith.constant 4 : i32
    %mul3A_0 = arith.muli %mul3A, %arg0 : i32
    %add3A = arith.constant 3 : i32
    %add3A_1 = arith.addi %mul3A_0, %add3A : i32
    %get3A = arith.index_cast %add3A_1 : i32 to index
    %get3A_2 = memref.load %arg1[%get3A] : memref<128xi32, #tpu.memory_space<smem>>
    %c0_i32 = arith.constant 0 : i32
    %c0_i32_3 = arith.constant 0 : i32
    %c0_i32_4 = arith.constant 0 : i32
    return %get3A_2, %c0_i32, %c0_i32_3 : i32, i32, i32
  }
  func.func @transform_41(%arg0: i32, %arg1: memref<128xi32, #tpu.memory_space<smem>>, %arg2: memref<1xi32, #tpu.memory_space<smem>>) -> (i32, i32) {
    %c0_i32 = arith.constant 0 : i32
    %c0_i32_0 = arith.constant 0 : i32
    return %arg0, %c0_i32 : i32, i32
  }
}

</mosaic_0001>

<sc_bundles>
// kernel: kernel.10.cloned.1.call-start
scs
__scs_entry_jumppad:
0x0: {  	(pc) =	sbr.rel $0x88, $3  }
0x1: {  	(tag) =	ssettag $0x0;
	lr =	simm.s32 $0x1  }
0x2: {  	[smem:$0x3F96] =	sst lr;
	_ =	strace $0xD0000000  }
0x3: {  	_ = 	snop  }
0x4: {  	_ = 	snop  }
0x5: {  	_ = 	snop  }
0x6: {  	_ = 	snop  }
0x7: {  	_ = 	snop  }
__scs_overlays_trampoline_lowered:
0x8: {  	[smem:$0x3FA5] =	sst s0  }
0x9: {  	[smem:$0x3FA6] =	sst s1  }
0xa: {  	[smem:$0x3FA7] =	sst s2  }
0xb: {  	[smem:$0x3FA8] =	sst s3  }
0xc: {  	[smem:$0x3FA9] =	sst s4  }
0xd: {  	[smem:$0x3FAA] =	sst s5  }
0xe: {  	[smem:$0x3FAB] =	sst s6  }
0xf: {  	[smem:$0x3FAC] =	sst s7  }
0x10: {  	[smem:$0x3FAD] =	sst s8  }
0x11: {  	[smem:$0x3FAE] =	sst s9;
	s0 =	simm.s32 @!p0 $0x0  }
0x12: {  	s1 =	sld [smem:$0x3F94];
	s0 =	simm.s32 @p0 $0x1  }
0x13: {  	[smem:$0x3FAF] =	sst s0;
	s0 =	simm.s32 @!p1 $0x0  }
0x14: {  	s2 =	sld [smem:$0x3F93];
	s0 =	simm.s32 @p1 $0x1  }
0x15: {  	[smem:$0x3FB0] =	sst s0;
	s0 =	simm.s32 @!p2 $0x0  }
0x16: {  	s3 =	sld [smem:$0x3FDB];
	s0 =	simm.s32 @p2 $0x1  }
0x17: {  	s4 =	simm.s32 $0x1BF5;
	[smem:$0x3FB2] =	sst s0  }
0x18: {  	s0 =	sld [smem:$0x3F95];
	_ =	swait.ge [sflag:s4], $0x0  }
0x19: {  	s7 =	sld [smem:$0x3F96]  }
0x1a: {  	s8 =	sadd.s32 $0xFFFFE003, lr  }
0x1b: {  	s9 =	sadd.s32 $0xFFFFFEF7, lr;
	s5 =	simm.s32 $0xFFFFFFFF;
	p2 =	slt.u32 s8, $0xFFFFF086  }
0x1c: {  	p1 =	slt.u32 s9, $0xF7A;
	s5 =	simm.s32 @!p2 $0x0  }
0x1d: {  	s5 =	simm.s32 @p1 $0x1;
	p0 =	seq.s32 s7, s2  }
0x1e: {  	s7 =	smul.u32 @!p0 $0xF7A, s2;
	p2 =	seq.s32 @!p0 s5, $0x0  }
0x1f: {  	s9 =	smul.u32 $0xF7A, s1;
	s8 =	simm.s32 @!p0 $0x1BF5;
	p2 =	por !p2, p0  }
0x20: {  	[sflag:s8] =	ssyncset.s32 @!p0 $0xFFFFF086;
	s6 =	sadd.s32 @!p0 s3, s7;
	s7 =	simm.s32 @!p0 $0x108  }
0x21: {  	s3 =	sadd.s32 s3, s9;
	s6 =	sadd.s32 @!p0 $0x88, s6;
	s7 =	simm.s32 @p2 $0x1082  }
0x22: {  	[simem:s7], [sflag:s8] =	dma.local @!p0 [hbm:s6], $0xF7A  }
0x23: {  	s9 =	sor.u32 $0xD0000000, s2;
	s6 =	simm.s32 $0x108;
	_ =	swait.ge @!p0 [sflag:s8], $0x0  }
0x24: {  	s3 =	sadd.s32 $0x88, s3;
	s6 =	simm.s32 @!p1 $0x1082;
	[sflag:s4] =	ssyncset.s32 $0xFFFFF086  }
0x25: {  	[simem:s6], [sflag:s4] =	dma.local [hbm:s3], $0xF7A  }
0x26: {  	[smem:$0x3F96] =	sst s1;
	(tag) =	ssettag s2;
	_ =	strace s9  }
0x27: {  	s1 =	sld [smem:$0x3FA6]  }
0x28: {  	s2 =	sld [smem:$0x3FA7]  }
0x29: {  	s4 =	sld [smem:$0x3FA9]  }
0x2a: {  	p0 =	seq.s32 s5, $0x0;
	s5 =	sld [smem:$0x3FAA]  }
0x2b: {  	s6 =	sld [smem:$0x3FAB]  }
0x2c: {  	s7 =	sld [smem:$0x3FAC]  }
0x2d: {  	s3 =	simm.s32 $0x108;
	s8 =	sld [smem:$0x3FAD]  }
0x2e: {  	s3 =	simm.s32 @!p0 $0x1082;
	s9 =	sld [smem:$0x3FAE]  }
0x2f: {  	lr =	sadd.s32 s0, s3;
	s0 =	sld [smem:$0x3FA5]  }
0x30: {  	s3 =	sld [smem:$0x3FA8]  }
0x31: {  	[smem:$0x3FB1] =	sst s10  }
0x32: {  	s10 =	sld [smem:$0x3FAF];
	_ =	sdelay $0x3  }
0x33: {  	p0 =	seq.s32 s10, $0x1;
	s10 =	sld [smem:$0x3FB1];
	_ =	sdelay $0x3  }
0x34: {  	[smem:$0x3FB1] =	sst s10  }
0x35: {  	s10 =	sld [smem:$0x3FB0];
	_ =	sdelay $0x3  }
0x36: {  	p1 =	seq.s32 s10, $0x1;
	s10 =	sld [smem:$0x3FB1];
	_ =	sdelay $0x3  }
0x37: {  	[smem:$0x3FB1] =	sst s10  }
0x38: {  	s10 =	sld [smem:$0x3FB2]  }
0x39: {  	_ = 	snop;
	(pc) =	sbr.ind lr, $3  }
0x3a: {  	_ = 	snop  }
0x3b: {  	_ = 	snop  }
0x3c: {  	p2 =	seq.s32 s10, $0x1;
	s10 =	sld [smem:$0x3FB1]  }
0x3d: {  	_ =	shalt  }
0x3e: {  	_ =	shalt  }
0x3f: {  	_ =	shalt  }
0x40: {  	_ =	shalt  }
0x41: {  	_ =	shalt  }
0x42: {  	_ =	shalt  }
0x43: {  	_ =	shalt  }
0x44: {  	_ =	shalt  }
0x45: {  	_ =	shalt  }
0x46: {  	_ =	shalt  }
0x47: {  	_ =	shalt  }
0x48: {  	_ =	shalt  }
0x49: {  	_ =	shalt  }
0x4a: {  	_ =	shalt  }
0x4b: {  	_ =	shalt  }
0x4c: {  	_ =	shalt  }
0x4d: {  	_ =	shalt  }
0x4e: {  	_ =	shalt  }
0x4f: {  	_ =	shalt  }
0x50: {  	_ =	shalt  }
0x51: {  	_ =	shalt  }
0x52: {  	_ =	shalt  }
0x53: {  	_ =	shalt  }
0x54: {  	_ =	shalt  }
0x55: {  	_ =	shalt  }
0x56: {  	_ =	shalt  }
0x57: {  	_ =	shalt  }
0x58: {  	_ =	shalt  }
0x59: {  	_ =	shalt  }
0x5a: {  	_ =	shalt  }
0x5b: {  	_ =	shalt  }
0x5c: {  	_ =	shalt  }
0x5d: {  	_ =	shalt  }
0x5e: {  	_ =	shalt  }
0x5f: {  	_ =	shalt  }
0x60: {  	_ =	shalt  }
0x61: {  	_ =	shalt  }
0x62: {  	_ =	shalt  }
0x63: {  	_ =	shalt  }
0x64: {  	_ =	shalt  }
0x65: {  	_ =	shalt  }
0x66: {  	_ =	shalt  }
0x67: {  	_ =	shalt  }
0x68: {  	_ =	shalt  }
0x69: {  	_ =	shalt  }
0x6a: {  	_ =	shalt  }
0x6b: {  	_ =	shalt  }
0x6c: {  	_ =	shalt  }
0x6d: {  	_ =	shalt  }
0x6e: {  	_ =	shalt  }
0x6f: {  	_ =	shalt  }
0x70: {  	_ =	shalt  }
0x71: {  	_ =	shalt  }
0x72: {  	_ =	shalt  }
0x73: {  	_ =	shalt  }
0x74: {  	_ =	shalt  }
0x75: {  	_ =	shalt  }
0x76: {  	_ =	shalt  }
0x77: {  	_ =	shalt  }
0x78: {  	_ =	shalt  }
0x79: {  	_ =	shalt  }
0x7a: {  	_ =	shalt  }
0x7b: {  	_ =	shalt  }
0x7c: {  	_ =	shalt  }
0x7d: {  	_ =	shalt  }
0x7e: {  	_ =	shalt  }
0x7f: {  	_ =	shalt  }
0x80: {  	_ =	shalt  }
0x81: {  	_ =	shalt  }
0x82: {  	_ =	shalt  }
0x83: {  	_ =	shalt  }
0x84: {  	_ =	shalt  }
0x85: {  	_ =	shalt  }
0x86: {  	_ =	shalt  }
0x87: {  	_ =	shalt  }
.Lfunc_end0:
.L_simem_size_0:
called_computation.1_lowered:
.L_overlay_start_0:
0x88: {  	s2 =	sld [smem:$0x3FD9]  }
0x89: {  	s3 =	sld [smem:$0x3FFE];
	_ =	sdelay $0x1  }
0x8a: {  	s1 =	srdreg.scid  }
0x8b: {  	s0 =	sand.u32 $0x1, s1  }
0x8c: {  	s15 =	sshll.u32 s0, $0xA;
	s2 =	sadd.s32 s3, s2  }
0x8d: {  	s2 =	sadd.s32 s2, s15  }
0x8e: {  	[smem:$0x3FBD] =	sst s2  }
0x8f: {  	_ = 	snop  }
0x90: {  	s2 =	sld [smem:$0x3FD0];
	_ =	sdelay $0x2  }
0x91: {  	s16 =	simm.s32 $0xA;
	s4 =	simm.s32 $0x10  }
0x92: {  	[smem:s4], [sflag:s16] =	dma.local [hbm:s2], $0x1  }
0x93: {  	_ =	swait.eq [sflag:s16], $0x1  }
0x94: {  	s17 =	sld [smem:$0x11];
	[sflag:s16] =	ssyncset.done $0x0  }
0x95: {  	s18 =	sld [smem:$0x13];
	[sflag:s16] =	ssyncadd.s32 $0xFFFFFFFF  }
0x96: {  	s19 =	sld [smem:$0x14];
	(tm) =	ssettm $0x1  }
0x97: {  	s5 =	sld [smem:$0x3FFB];
	_ =	sdelay $0x3  }
0x98: {  	_ =	strace s5  }
0x99: {  	s5 =	sld [smem:$0x3FFC];
	_ =	sdelay $0x3  }
0x9a: {  	_ =	strace s5  }
0x9b: {  	s5 =	sld [smem:$0x3FFD];
	_ =	sdelay $0x3  }
0x9c: {  	_ =	strace s5  }
0x9d: {  	_ =	strace $0x8FFFFFFF  }
0x9e: {  	s20 =	sld [smem:$0x3FDB];
	_ =	sdelay $0x1  }
0x9f: {  	s6 =	simm.s32 $_scs_section_size  }
0xa0: {  	s7 =	simm.s32 $_size__tile_overlayer_lowered;
	s8 =	simm.s32 $_tile_overlayer_lowered  }
0xa1: {  	s23 =	simm.s32 $0x1BFF;
	s22 =	sshll.u32 s8, $0x1;
	s5 =	sadd.s32 s6, s20  }
0xa2: {  	s9 =	simm.s32 $0x0;
	s21 =	sshll.u32 s7, $0x1;
	s7 =	sadd.s32 s22, s5  }
0xa3: {  	[timem:s9], [sflag:s23] =	dma.local [hbm:s7], s21  }
0xa4: {  	_ =	swait.ge [sflag:s23], s21  }
0xa5: {  	s6 =	ssub.s32 $0x0, s21;
	[sflag:s23] =	ssyncset.done $0x0  }
0xa6: {  	[sflag:s23] =	ssyncadd.s32 s6;
	_ =	sdelay $0x1  }
0xa7: {  	s24 =	simm.s32 $0x1B8B  }
0xa8: {  	_ =	swait.ge [sflag:s24], $0x1  }
0xa9: {  	[sflag:s24] =	ssyncset.done $0x0  }
0xaa: {  	s25 =	simm.s32 $0x1B8E;
	[sflag:s24] =	ssyncadd.s32 $0xFFFFFFFF  }
0xab: {  	s26 =	simm.s32 $execute0_lowered;
	[smem:$0x3FD2] =	sst s25  }
0xac: {  	s6 =	sshll.u32 s26, $0x1;
	_ =	strace $0x80000049;
	[dreg:$0x1] =	wrdreg $0xFFFFFFFF  }
0xad: {  	s28 =	simm.s32 $_size_execute0_lowered;
	s5 =	sadd.s32 s5, s6;
	[dreg:$0x0] =	wrdreg $0x0  }
0xae: {  	s6 =	sshll.u32 s28, $0x1;
	[dreg:$0x2] =	wrdreg s5  }
0xaf: {  	[dreg:$0x3] =	wrdreg s6  }
0xb0: {  	[dreg:$0x4] =	wrdreg $0xC0  }
0xb1: {  	_ =	task [dreg:s9], $0x5FFFF  }
0xb2: {  	[dreg:$0x1] =	wrdreg $0xFFFFFFFF  }
0xb3: {  	[dreg:$0x0] =	wrdreg $0x60  }
0xb4: {  	[dreg:$0x2] =	wrdreg s19  }
0xb5: {  	[dreg:$0x3] =	wrdreg s17  }
0xb6: {  	[dreg:$0x4] =	wrdreg s18  }
0xb7: {  	[dreg:$0x5] =	wrdreg $0x9  }
0xb8: {  	_ =	task.clear_ibuf [dreg:s9], $0x6FFFF;
	_ =	strace $0x90000049  }
0xb9: {  	s29 =	simm.s32 $0x9;
	_ =	strace $0x8000004B  }
0xba: {  	_ =	swait.ge [sflag:s29], $0x1  }
0xbb: {  	[sflag:s29] =	ssyncadd.s32 $0xFFFFFFFF  }
0xbc: {  	_ =	strace $0x9000004B  }
0xbd: {  	_ =	sfence  }
0xbe: {  	s30 =	sld [smem:$0x0];
	_ =	sdelay $0x2  }
0xbf: {  	s31 =	sshll.u32 s1, $0xD;
	s1 =	sshrl.u32 s1, $0x2  }
0xc0: {  	s3 =	sand.u32 $0x4000, s31;
	s1 =	sadd.s32 s1, s30  }
0xc1: {  	s0 =	sor.u32 s3, s0;
	s1 =	sshll.u32 s1, $0x11  }
0xc2: {  	s0 =	sor.u32 s1, s0  }
0xc3: {  	s0 =	sadd.s32 $0x8F2B, s0  }
0xc4: {  	[sflag:s0] =	ssyncadd.remote.s32 $0x1  }
0xc5: {  	_ =	sfence.sel $0xFFFF  }
0xc6: {  	[dreg:$0x0] =	wrdreg $0xFFFFFFFF;
	(pc) =	sbr.abs _section_cstart, $3  }
0xc7: {  	[dreg:$0x1] =	wrdreg $0xFFFFFFFF  }
0xc8: {  	_ =	task.clear_ibuf [dreg:s9], $0x2FFFF;
	_ =	strace $0x9FFFFFFF  }
0xc9: {  	(tm) =	ssettm $0x7FFFFFFF  }
tec
execute0_lowered:
.L_overlay_start_1:
0x0: {  	(tag) =	ssettag $0x1  }
0x1: {  	s1 =	rddreg [dreg:$0x0];
	s2 =	srdreg.scid  }
0x2: {  	s4 =	rddreg [dreg:$0x1];
	s0 =	stileid.u32;
	s14 =	sand.u32 $0x1, s2  }
0x3: {  	s15 =	rddreg [dreg:$0x2];
	s5 =	sshll.u32 s0, $0xA;
	s6 =	sshll.u32 s14, $0x9  }
0x4: {  	s3 =	simm.s32 $0x0;
	s2 =	rddreg [dreg:$0x3];
	s16 =	sor.u32 s6, s5  }
0x5: {  	[smem:$0x7FF] =	sst s3;
	s5 =	sshrl.u32 s16, $0x3  }
0x6: {  	_ =	strace $0x8000004A;
	s4 =	sadd.s32 s4, s5;
	s5 =	simm.s32 $0x1  }
0x7: {  	[tilespmem:s3], [sflag:$0x1] =	stream.linear.gather [hbm4b:s4+s3], $0x200, $0x38;
	[tilespmem:$0x2200] =	vst v63  }
0x8: {  	_ =	swait.ge [sflag:s5], $0x200  }
0x9: {  	[sflag:s5] =	ssyncset.done $0x0  }
0xa: {  	s7 =	simm.s32 $0x200;
	s6 =	simm.s32 $0x80;
	[sflag:s5] =	ssyncadd.s32 $0xFFFFFE00  }
0xb: {  	[tilespmem:s7], [sflag:$0x2] =	stream.indirect.gather [hbm4b:s1+s6], $0x10, s3, s6, $0xb8;
	[tilespmem:$0x2200] =	vst v63  }
0xc: {  	s8 =	simm.s32 $0xA00  }
0xd: {  	[tilespmem:s8], [sflag:$0x2] =	stream.indirect.gather [hbm4b:s1+s6], $0x10, s6, s6, $0xb8;
	[tilespmem:$0x2200] =	vst v63  }
0xe: {  	s9 =	simm.s32 $0x100;
	s10 =	simm.s32 $0x1200  }
0xf: {  	[tilespmem:s10], [sflag:$0x2] =	stream.indirect.gather [hbm4b:s1+s6], $0x10, s9, s6, $0xb8;
	[tilespmem:$0x2200] =	vst v63  }
0x10: {  	s11 =	simm.s32 $0x180;
	s12 =	simm.s32 $0x1A00;
	s13 =	simm.s32 $0x2  }
0x11: {  	[tilespmem:s12], [sflag:$0x2] =	stream.indirect.gather [hbm4b:s1+s6], $0x10, s11, s6, $0xb8;
	[tilespmem:$0x2200] =	vst v63  }
0x12: {  	_ =	swait.ge [sflag:s13], $0x800  }
0x13: {  	[sflag:s13] =	ssyncset.done $0x0  }
0x14: {  	[sflag:s13] =	ssyncadd.s32 $0xFFFFF800  }
0x15: {  	_ =	swait.ge [sflag:s13], $0x800  }
0x16: {  	[sflag:s13] =	ssyncset.done $0x0  }
0x17: {  	s14 =	ssub.s32 $0x2, s14;
	[sflag:s13] =	ssyncadd.s32 $0xFFFFF800  }
0x18: {  	s17 =	sshrl.u32 s14, $0x1;
	_ =	swait.ge [sflag:s13], $0x800  }
0x19: {  	s17 =	ssub.s32 s14, s17;
	[sflag:s13] =	ssyncset.done $0x0  }
0x1a: {  	s31 =	smax.u32 s17, $0x1;
	[sflag:s13] =	ssyncadd.s32 $0xFFFFF800  }
0x1b: {  	p0 =	sne.s32 s31, $0x1;
	_ =	swait.ge [sflag:s13], $0x800  }
.Ltmp0:
0x1c: {  	s16 =	sshll.u32 s16, $0x1;
	[sflag:s13] =	ssyncset.done $0x0;
	(pc) =	sbr.rel @!p0 .LBB2_2-.Ltmp0, $4  }
0x1d: {  	s14 =	sadd.s32 s15, s16;
	s15 =	simm.s32 $0x3;
	[sflag:s13] =	ssyncadd.s32 $0xFFFFF800  }
0x1e: {  	[hbm4b:s14+s3] =	stream.linear.scatter [tilespmem:s7], [sflag:$0x3], $0x2000, $0x38;
	[tilespmem:$0x2200] =	vst v63  }
0x1f: {  	_ =	swait.ge [sflag:s15], $0x2000  }
0x20: {  	s16 =	sadd.s32 $0xFFFFFFFF, s31;
	[sflag:s15] =	ssyncset.done $0x0  }
.LBB2_1:
0x21: {  	p0 =	sne.s32 s16, $0x1;
	s16 =	sadd.s32 $0xFFFFFFFF, s16;
	[sflag:s15] =	ssyncadd.s32 $0xFFFFE000  }
0x22: {  	[tilespmem:s3], [sflag:$0x1] =	stream.linear.gather [hbm4b:s4+s3], $0x200, $0x38;
	[tilespmem:$0x2200] =	vst v63  }
0x23: {  	_ =	swait.ge [sflag:s5], $0x200  }
0x24: {  	[sflag:s5] =	ssyncset.done $0x0  }
0x25: {  	[sflag:s5] =	ssyncadd.s32 $0xFFFFFE00  }
0x26: {  	[tilespmem:s7], [sflag:$0x2] =	stream.indirect.gather [hbm4b:s1+s6], $0x10, s3, s6, $0xb8;
	[tilespmem:$0x2200] =	vst v63  }
0x27: {  	_ = 	snop  }
0x28: {  	[tilespmem:s8], [sflag:$0x2] =	stream.indirect.gather [hbm4b:s1+s6], $0x10, s6, s6, $0xb8;
	[tilespmem:$0x2200] =	vst v63  }
0x29: {  	_ = 	snop  }
0x2a: {  	[tilespmem:s10], [sflag:$0x2] =	stream.indirect.gather [hbm4b:s1+s6], $0x10, s9, s6, $0xb8;
	[tilespmem:$0x2200] =	vst v63  }
0x2b: {  	_ = 	snop  }
0x2c: {  	[tilespmem:s12], [sflag:$0x2] =	stream.indirect.gather [hbm4b:s1+s6], $0x10, s11, s6, $0xb8;
	[tilespmem:$0x2200] =	vst v63  }
0x2d: {  	_ =	swait.ge [sflag:s13], $0x800  }
0x2e: {  	[sflag:s13] =	ssyncset.done $0x0  }
0x2f: {  	[sflag:s13] =	ssyncadd.s32 $0xFFFFF800  }
0x30: {  	_ =	swait.ge [sflag:s13], $0x800  }
0x31: {  	[sflag:s13] =	ssyncset.done $0x0  }
0x32: {  	[sflag:s13] =	ssyncadd.s32 $0xFFFFF800  }
0x33: {  	_ =	swait.ge [sflag:s13], $0x800  }
0x34: {  	[sflag:s13] =	ssyncset.done $0x0  }
0x35: {  	[sflag:s13] =	ssyncadd.s32 $0xFFFFF800  }
0x36: {  	_ =	swait.ge [sflag:s13], $0x800  }
.Ltmp1:
0x37: {  	[sflag:s13] =	ssyncset.done $0x0;
	(pc) =	sbr.rel @p0 .LBB2_1-.Ltmp1, $4  }
0x38: {  	[sflag:s13] =	ssyncadd.s32 $0xFFFFF800  }
0x39: {  	[hbm4b:s14+s3] =	stream.linear.scatter [tilespmem:s7], [sflag:$0x3], $0x2000, $0x38;
	[tilespmem:$0x2200] =	vst v63  }
0x3a: {  	_ =	swait.ge [sflag:s15], $0x2000  }
0x3b: {  	[sflag:s15] =	ssyncset.done $0x0  }
.LBB2_2:
0x3c: {  	[sflag:s15] =	ssyncadd.s32 $0xFFFFE000  }
0x3d: {  	_ =	sfence.sel $0x180000  }
0x3e: {  	[bflag:$0x0] =	sbarrier.arrive $0xFFFF  }
0x3f: {  	p0 =	sne.s32 s0, $0x0;
	_ =	strace $0x9000004A  }
0x40: {  	s0 =	sadd.s32 @!p0 $0x100000, s2;
	[bflag:$0x2] =	sbarrier.arrive $0xFFFF  }
0x41: {  	[sflag:s0] =	ssyncadd.tile.s32 @!p0 $0x1;
	_ =	shalt  }
.Lfunc_end2:
_tile_overlayer_lowered:
.L_overlay_start_2:
0x42: {  	(tag) =	ssettag $0x2  }
0x43: {  	s0 =	rddreg [dreg:$0x0];
	s2 =	stileid.u32  }
0x44: {  	s1 =	rddreg [dreg:$0x1];
	p0 =	sne.s32 s2, $0x0  }
0x45: {  	s3 =	rddreg [dreg:$0x2];
	[bflag:$0x3] =	sbarrier.arrive $0xFFFF;
	s2 =	simm.s32 @!p0 $0x1C03  }
0x46: {  	[timem:s3], [sflag:s2] =	dma.local @!p0 [hbm:s0], s1  }
0x47: {  	s0 =	simm.s32 @!p0 $0x3  }
0x48: {  	_ =	swait.ge @!p0 [sflag:s0], s1  }
0x49: {  	s1 =	ssub.s32 @!p0 $0x0, s1;
	[sflag:s0] =	ssyncset.done @!p0 $0x0  }
0x4a: {  	[sflag:s0] =	ssyncadd.s32 @!p0 s1  }
0x4b: {  	[bflag:$0x3] =	sbarrier.arrive $0xFFFF  }
0x4c: {  	_ =	shalt  }

// kernel: kernel.7.cloned.1.call-start
scs
__scs_entry_jumppad:
0x0: {  	(pc) =	sbr.rel $0x88, $3  }
0x1: {  	(tag) =	ssettag $0x0;
	lr =	simm.s32 $0x1  }
0x2: {  	[smem:$0x3F96] =	sst lr;
	_ =	strace $0xD0000000  }
0x3: {  	_ = 	snop  }
0x4: {  	_ = 	snop  }
0x5: {  	_ = 	snop  }
0x6: {  	_ = 	snop  }
0x7: {  	_ = 	snop  }
__scs_overlays_trampoline_lowered:
0x8: {  	[smem:$0x3FA5] =	sst s0  }
0x9: {  	[smem:$0x3FA6] =	sst s1  }
0xa: {  	[smem:$0x3FA7] =	sst s2  }
0xb: {  	[smem:$0x3FA8] =	sst s3  }
0xc: {  	[smem:$0x3FA9] =	sst s4  }
0xd: {  	[smem:$0x3FAA] =	sst s5  }
0xe: {  	[smem:$0x3FAB] =	sst s6  }
0xf: {  	[smem:$0x3FAC] =	sst s7  }
0x10: {  	[smem:$0x3FAD] =	sst s8  }
0x11: {  	[smem:$0x3FAE] =	sst s9;
	s0 =	simm.s32 @!p0 $0x0  }
0x12: {  	s1 =	sld [smem:$0x3F94];
	s0 =	simm.s32 @p0 $0x1  }
0x13: {  	[smem:$0x3FAF] =	sst s0;
	s0 =	simm.s32 @!p1 $0x0  }
0x14: {  	s2 =	sld [smem:$0x3F93];
	s0 =	simm.s32 @p1 $0x1  }
0x15: {  	[smem:$0x3FB0] =	sst s0;
	s0 =	simm.s32 @!p2 $0x0  }
0x16: {  	s3 =	sld [smem:$0x3FDB];
	s0 =	simm.s32 @p2 $0x1  }
0x17: {  	s4 =	simm.s32 $0x1BF5;
	[smem:$0x3FB2] =	sst s0  }
0x18: {  	s0 =	sld [smem:$0x3F95];
	_ =	swait.ge [sflag:s4], $0x0  }
0x19: {  	s7 =	sld [smem:$0x3F96]  }
0x1a: {  	s8 =	sadd.s32 $0xFFFFE003, lr  }
0x1b: {  	s9 =	sadd.s32 $0xFFFFFEF7, lr;
	s5 =	simm.s32 $0xFFFFFFFF;
	p2 =	slt.u32 s8, $0xFFFFF086  }
0x1c: {  	p1 =	slt.u32 s9, $0xF7A;
	s5 =	simm.s32 @!p2 $0x0  }
0x1d: {  	s5 =	simm.s32 @p1 $0x1;
	p0 =	seq.s32 s7, s2  }
0x1e: {  	s7 =	smul.u32 @!p0 $0xF7A, s2;
	p2 =	seq.s32 @!p0 s5, $0x0  }
0x1f: {  	s9 =	smul.u32 $0xF7A, s1;
	s8 =	simm.s32 @!p0 $0x1BF5;
	p2 =	por !p2, p0  }
0x20: {  	[sflag:s8] =	ssyncset.s32 @!p0 $0xFFFFF086;
	s6 =	sadd.s32 @!p0 s3, s7;
	s7 =	simm.s32 @!p0 $0x108  }
0x21: {  	s3 =	sadd.s32 s3, s9;
	s6 =	sadd.s32 @!p0 $0x88, s6;
	s7 =	simm.s32 @p2 $0x1082  }
0x22: {  	[simem:s7], [sflag:s8] =	dma.local @!p0 [hbm:s6], $0xF7A  }
0x23: {  	s9 =	sor.u32 $0xD0000000, s2;
	s6 =	simm.s32 $0x108;
	_ =	swait.ge @!p0 [sflag:s8], $0x0  }
0x24: {  	s3 =	sadd.s32 $0x88, s3;
	s6 =	simm.s32 @!p1 $0x1082;
	[sflag:s4] =	ssyncset.s32 $0xFFFFF086  }
0x25: {  	[simem:s6], [sflag:s4] =	dma.local [hbm:s3], $0xF7A  }
0x26: {  	[smem:$0x3F96] =	sst s1;
	(tag) =	ssettag s2;
	_ =	strace s9  }
0x27: {  	s1 =	sld [smem:$0x3FA6]  }
0x28: {  	s2 =	sld [smem:$0x3FA7]  }
0x29: {  	s4 =	sld [smem:$0x3FA9]  }
0x2a: {  	p0 =	seq.s32 s5, $0x0;
	s5 =	sld [smem:$0x3FAA]  }
0x2b: {  	s6 =	sld [smem:$0x3FAB]  }
0x2c: {  	s7 =	sld [smem:$0x3FAC]  }
0x2d: {  	s3 =	simm.s32 $0x108;
	s8 =	sld [smem:$0x3FAD]  }
0x2e: {  	s3 =	simm.s32 @!p0 $0x1082;
	s9 =	sld [smem:$0x3FAE]  }
0x2f: {  	lr =	sadd.s32 s0, s3;
	s0 =	sld [smem:$0x3FA5]  }
0x30: {  	s3 =	sld [smem:$0x3FA8]  }
0x31: {  	[smem:$0x3FB1] =	sst s10  }
0x32: {  	s10 =	sld [smem:$0x3FAF];
	_ =	sdelay $0x3  }
0x33: {  	p0 =	seq.s32 s10, $0x1;
	s10 =	sld [smem:$0x3FB1];
	_ =	sdelay $0x3  }
0x34: {  	[smem:$0x3FB1] =	sst s10  }
0x35: {  	s10 =	sld [smem:$0x3FB0];
	_ =	sdelay $0x3  }
0x36: {  	p1 =	seq.s32 s10, $0x1;
	s10 =	sld [smem:$0x3FB1];
	_ =	sdelay $0x3  }
0x37: {  	[smem:$0x3FB1] =	sst s10  }
0x38: {  	s10 =	sld [smem:$0x3FB2]  }
0x39: {  	_ = 	snop;
	(pc) =	sbr.ind lr, $3  }
0x3a: {  	_ = 	snop  }
0x3b: {  	_ = 	snop  }
0x3c: {  	p2 =	seq.s32 s10, $0x1;
	s10 =	sld [smem:$0x3FB1]  }
0x3d: {  	_ =	shalt  }
0x3e: {  	_ =	shalt  }
0x3f: {  	_ =	shalt  }
0x40: {  	_ =	shalt  }
0x41: {  	_ =	shalt  }
0x42: {  	_ =	shalt  }
0x43: {  	_ =	shalt  }
0x44: {  	_ =	shalt  }
0x45: {  	_ =	shalt  }
0x46: {  	_ =	shalt  }
0x47: {  	_ =	shalt  }
0x48: {  	_ =	shalt  }
0x49: {  	_ =	shalt  }
0x4a: {  	_ =	shalt  }
0x4b: {  	_ =	shalt  }
0x4c: {  	_ =	shalt  }
0x4d: {  	_ =	shalt  }
0x4e: {  	_ =	shalt  }
0x4f: {  	_ =	shalt  }
0x50: {  	_ =	shalt  }
0x51: {  	_ =	shalt  }
0x52: {  	_ =	shalt  }
0x53: {  	_ =	shalt  }
0x54: {  	_ =	shalt  }
0x55: {  	_ =	shalt  }
0x56: {  	_ =	shalt  }
0x57: {  	_ =	shalt  }
0x58: {  	_ =	shalt  }
0x59: {  	_ =	shalt  }
0x5a: {  	_ =	shalt  }
0x5b: {  	_ =	shalt  }
0x5c: {  	_ =	shalt  }
0x5d: {  	_ =	shalt  }
0x5e: {  	_ =	shalt  }
0x5f: {  	_ =	shalt  }
0x60: {  	_ =	shalt  }
0x61: {  	_ =	shalt  }
0x62: {  	_ =	shalt  }
0x63: {  	_ =	shalt  }
0x64: {  	_ =	shalt  }
0x65: {  	_ =	shalt  }
0x66: {  	_ =	shalt  }
0x67: {  	_ =	shalt  }
0x68: {  	_ =	shalt  }
0x69: {  	_ =	shalt  }
0x6a: {  	_ =	shalt  }
0x6b: {  	_ =	shalt  }
0x6c: {  	_ =	shalt  }
0x6d: {  	_ =	shalt  }
0x6e: {  	_ =	shalt  }
0x6f: {  	_ =	shalt  }
0x70: {  	_ =	shalt  }
0x71: {  	_ =	shalt  }
0x72: {  	_ =	shalt  }
0x73: {  	_ =	shalt  }
0x74: {  	_ =	shalt  }
0x75: {  	_ =	shalt  }
0x76: {  	_ =	shalt  }
0x77: {  	_ =	shalt  }
0x78: {  	_ =	shalt  }
0x79: {  	_ =	shalt  }
0x7a: {  	_ =	shalt  }
0x7b: {  	_ =	shalt  }
0x7c: {  	_ =	shalt  }
0x7d: {  	_ =	shalt  }
0x7e: {  	_ =	shalt  }
0x7f: {  	_ =	shalt  }
0x80: {  	_ =	shalt  }
0x81: {  	_ =	shalt  }
0x82: {  	_ =	shalt  }
0x83: {  	_ =	shalt  }
0x84: {  	_ =	shalt  }
0x85: {  	_ =	shalt  }
0x86: {  	_ =	shalt  }
0x87: {  	_ =	shalt  }
.Lfunc_end0:
.L_simem_size_0:
called_computation_lowered:
.L_overlay_start_0:
0x88: {  	s2 =	sld [smem:$0x3FD9]  }
0x89: {  	s3 =	sld [smem:$0x3FFE];
	_ =	sdelay $0x1  }
0x8a: {  	s1 =	srdreg.scid  }
0x8b: {  	s0 =	sand.u32 $0x1, s1  }
0x8c: {  	s15 =	sshll.u32 s0, $0xA;
	s2 =	sadd.s32 s3, s2  }
0x8d: {  	s2 =	sadd.s32 s2, s15  }
0x8e: {  	[smem:$0x3FBD] =	sst s2  }
0x8f: {  	_ = 	snop  }
0x90: {  	s2 =	sld [smem:$0x3FD0];
	_ =	sdelay $0x2  }
0x91: {  	s16 =	simm.s32 $0xA;
	s4 =	simm.s32 $0x10  }
0x92: {  	[smem:s4], [sflag:s16] =	dma.local [hbm:s2], $0x1  }
0x93: {  	_ =	swait.eq [sflag:s16], $0x1  }
0x94: {  	s17 =	sld [smem:$0x11];
	[sflag:s16] =	ssyncset.done $0x0  }
0x95: {  	s18 =	sld [smem:$0x13];
	[sflag:s16] =	ssyncadd.s32 $0xFFFFFFFF  }
0x96: {  	s19 =	sld [smem:$0x14];
	(tm) =	ssettm $0x1  }
0x97: {  	s5 =	sld [smem:$0x3FFB];
	_ =	sdelay $0x3  }
0x98: {  	_ =	strace s5  }
0x99: {  	s5 =	sld [smem:$0x3FFC];
	_ =	sdelay $0x3  }
0x9a: {  	_ =	strace s5  }
0x9b: {  	s5 =	sld [smem:$0x3FFD];
	_ =	sdelay $0x3  }
0x9c: {  	_ =	strace s5  }
0x9d: {  	_ =	strace $0x8FFFFFFF  }
0x9e: {  	s20 =	sld [smem:$0x3FDB];
	_ =	sdelay $0x1  }
0x9f: {  	s6 =	simm.s32 $_scs_section_size  }
0xa0: {  	s7 =	simm.s32 $_size__tile_overlayer_lowered;
	s8 =	simm.s32 $_tile_overlayer_lowered  }
0xa1: {  	s23 =	simm.s32 $0x1BFF;
	s22 =	sshll.u32 s8, $0x1;
	s5 =	sadd.s32 s6, s20  }
0xa2: {  	s9 =	simm.s32 $0x0;
	s21 =	sshll.u32 s7, $0x1;
	s7 =	sadd.s32 s22, s5  }
0xa3: {  	[timem:s9], [sflag:s23] =	dma.local [hbm:s7], s21  }
0xa4: {  	_ =	swait.ge [sflag:s23], s21  }
0xa5: {  	s6 =	ssub.s32 $0x0, s21;
	[sflag:s23] =	ssyncset.done $0x0  }
0xa6: {  	[sflag:s23] =	ssyncadd.s32 s6;
	_ =	sdelay $0x1  }
0xa7: {  	s24 =	simm.s32 $0x1B8B  }
0xa8: {  	_ =	swait.ge [sflag:s24], $0x1  }
0xa9: {  	[sflag:s24] =	ssyncset.done $0x0  }
0xaa: {  	s25 =	simm.s32 $0x1B8E;
	[sflag:s24] =	ssyncadd.s32 $0xFFFFFFFF  }
0xab: {  	s26 =	simm.s32 $execute0_lowered;
	[smem:$0x3FD2] =	sst s25  }
0xac: {  	s6 =	sshll.u32 s26, $0x1;
	_ =	strace $0x80000046;
	[dreg:$0x1] =	wrdreg $0xFFFFFFFF  }
0xad: {  	s28 =	simm.s32 $_size_execute0_lowered;
	s5 =	sadd.s32 s5, s6;
	[dreg:$0x0] =	wrdreg $0x0  }
0xae: {  	s6 =	sshll.u32 s28, $0x1;
	[dreg:$0x2] =	wrdreg s5  }
0xaf: {  	[dreg:$0x3] =	wrdreg s6  }
0xb0: {  	[dreg:$0x4] =	wrdreg $0xC0  }
0xb1: {  	_ =	task [dreg:s9], $0x5FFFF  }
0xb2: {  	[dreg:$0x1] =	wrdreg $0xFFFFFFFF  }
0xb3: {  	[dreg:$0x0] =	wrdreg $0x60  }
0xb4: {  	[dreg:$0x2] =	wrdreg s18  }
0xb5: {  	[dreg:$0x3] =	wrdreg s17  }
0xb6: {  	[dreg:$0x4] =	wrdreg s19  }
0xb7: {  	[dreg:$0x5] =	wrdreg $0x9  }
0xb8: {  	_ =	task.clear_ibuf [dreg:s9], $0x6FFFF;
	_ =	strace $0x90000046  }
0xb9: {  	s29 =	simm.s32 $0x9;
	_ =	strace $0x80000048  }
0xba: {  	_ =	swait.ge [sflag:s29], $0x1  }
0xbb: {  	[sflag:s29] =	ssyncadd.s32 $0xFFFFFFFF  }
0xbc: {  	_ =	strace $0x90000048  }
0xbd: {  	_ =	sfence  }
0xbe: {  	s30 =	sld [smem:$0x0];
	_ =	sdelay $0x2  }
0xbf: {  	s31 =	sshll.u32 s1, $0xD;
	s1 =	sshrl.u32 s1, $0x2  }
0xc0: {  	s3 =	sand.u32 $0x4000, s31;
	s1 =	sadd.s32 s1, s30  }
0xc1: {  	s0 =	sor.u32 s3, s0;
	s1 =	sshll.u32 s1, $0x11  }
0xc2: {  	s0 =	sor.u32 s1, s0  }
0xc3: {  	s0 =	sadd.s32 $0x8F2B, s0  }
0xc4: {  	[sflag:s0] =	ssyncadd.remote.s32 $0x1  }
0xc5: {  	_ =	sfence.sel $0xFFFF  }
0xc6: {  	[dreg:$0x0] =	wrdreg $0xFFFFFFFF;
	(pc) =	sbr.abs _section_cstart, $3  }
0xc7: {  	[dreg:$0x1] =	wrdreg $0xFFFFFFFF  }
0xc8: {  	_ =	task.clear_ibuf [dreg:s9], $0x2FFFF;
	_ =	strace $0x9FFFFFFF  }
0xc9: {  	(tm) =	ssettm $0x7FFFFFFF  }
tec
execute0_lowered:
.L_overlay_start_1:
0x0: {  	(tag) =	ssettag $0x1  }
0x1: {  	s5 =	rddreg [dreg:$0x0];
	s1 =	srdreg.scid  }
0x2: {  	s4 =	rddreg [dreg:$0x1];
	s0 =	stileid.u32;
	s16 =	sand.u32 $0x1, s1  }
0x3: {  	s2 =	rddreg [dreg:$0x2];
	s6 =	sshll.u32 s0, $0xA;
	s7 =	sshll.u32 s16, $0x9  }
0x4: {  	s3 =	simm.s32 $0x0;
	s1 =	rddreg [dreg:$0x3];
	s6 =	sor.u32 s7, s6  }
0x5: {  	[smem:$0x7FF] =	sst s3;
	s7 =	sshrl.u32 s6, $0x3  }
0x6: {  	_ =	strace $0x80000047;
	s6 =	sshll.u32 s6, $0x1;
	s4 =	sadd.s32 s4, s7  }
0x7: {  	[tilespmem:s3], [sflag:$0x1] =	stream.linear.gather [hbm4b:s4+s3], $0x200, $0x38;
	[tilespmem:$0x2200] =	vst v63  }
0x8: {  	s5 =	sadd.s32 s5, s6;
	s6 =	simm.s32 $0x200;
	s7 =	simm.s32 $0x1  }
0x9: {  	[tilespmem:s6], [sflag:$0x2] =	stream.linear.gather [hbm4b:s5+s3], $0x2000, $0x38;
	[tilespmem:$0x2200] =	vst v63  }
0xa: {  	_ =	swait.ge [sflag:s7], $0x200  }
0xb: {  	[sflag:s7] =	ssyncset.done $0x0  }
0xc: {  	s8 =	simm.s32 $0x2;
	[sflag:s7] =	ssyncadd.s32 $0xFFFFFE00  }
0xd: {  	_ =	swait.ge [sflag:s8], $0x2000  }
0xe: {  	[sflag:s8] =	ssyncset.done $0x0  }
0xf: {  	s9 =	simm.s32 $0x80;
	[sflag:s8] =	ssyncadd.s32 $0xFFFFE000  }
0x10: {  	[hbm4b:s2+s9] =	stream.indirect.scatter [tilespmem:s6], [sflag:$0x3], $0x10, s3, s9, $0xb8;
	[tilespmem:$0x2200] =	vst v63  }
0x11: {  	s10 =	simm.s32 $0xA00  }
0x12: {  	[hbm4b:s2+s9] =	stream.indirect.scatter [tilespmem:s10], [sflag:$0x3], $0x10, s9, s9, $0xb8;
	[tilespmem:$0x2200] =	vst v63  }
0x13: {  	s11 =	simm.s32 $0x100;
	s12 =	simm.s32 $0x1200  }
0x14: {  	[hbm4b:s2+s9] =	stream.indirect.scatter [tilespmem:s12], [sflag:$0x3], $0x10, s11, s9, $0xb8;
	[tilespmem:$0x2200] =	vst v63  }
0x15: {  	s13 =	simm.s32 $0x180;
	s15 =	simm.s32 $0x1A00;
	s14 =	simm.s32 $0x3  }
0x16: {  	[hbm4b:s2+s9] =	stream.indirect.scatter [tilespmem:s15], [sflag:$0x3], $0x10, s13, s9, $0xb8;
	[tilespmem:$0x2200] =	vst v63  }
0x17: {  	_ =	swait.ge [sflag:s14], $0x800  }
0x18: {  	s16 =	ssub.s32 $0x2, s16;
	[sflag:s14] =	ssyncset.done $0x0  }
0x19: {  	s17 =	sshrl.u32 s16, $0x1;
	[sflag:s14] =	ssyncadd.s32 $0xFFFFF800  }
0x1a: {  	s16 =	ssub.s32 s16, s17;
	_ =	swait.ge [sflag:s14], $0x800  }
0x1b: {  	s16 =	smax.u32 s16, $0x1;
	[sflag:s14] =	ssyncset.done $0x0  }
0x1c: {  	p0 =	sne.s32 s16, $0x1;
	[sflag:s14] =	ssyncadd.s32 $0xFFFFF800  }
.Ltmp0:
0x1d: {  	_ =	swait.ge [sflag:s14], $0x800;
	(pc) =	sbr.rel @!p0 .LBB2_2-.Ltmp0, $4  }
0x1e: {  	[sflag:s14] =	ssyncset.done $0x0  }
0x1f: {  	[sflag:s14] =	ssyncadd.s32 $0xFFFFF800  }
0x20: {  	_ =	swait.ge [sflag:s14], $0x800  }
0x21: {  	s16 =	sadd.s32 $0xFFFFFFFF, s16;
	[sflag:s14] =	ssyncset.done $0x0  }
.LBB2_1:
0x22: {  	p0 =	sne.s32 s16, $0x1;
	s16 =	sadd.s32 $0xFFFFFFFF, s16;
	[sflag:s14] =	ssyncadd.s32 $0xFFFFF800  }
0x23: {  	[tilespmem:s3], [sflag:$0x1] =	stream.linear.gather [hbm4b:s4+s3], $0x200, $0x38;
	[tilespmem:$0x2200] =	vst v63  }
0x24: {  	_ = 	snop  }
0x25: {  	[tilespmem:s6], [sflag:$0x2] =	stream.linear.gather [hbm4b:s5+s3], $0x2000, $0x38;
	[tilespmem:$0x2200] =	vst v63  }
0x26: {  	_ =	swait.ge [sflag:s7], $0x200  }
0x27: {  	[sflag:s7] =	ssyncset.done $0x0  }
0x28: {  	[sflag:s7] =	ssyncadd.s32 $0xFFFFFE00  }
0x29: {  	_ =	swait.ge [sflag:s8], $0x2000  }
0x2a: {  	[sflag:s8] =	ssyncset.done $0x0  }
0x2b: {  	[sflag:s8] =	ssyncadd.s32 $0xFFFFE000  }
0x2c: {  	[hbm4b:s2+s9] =	stream.indirect.scatter [tilespmem:s6], [sflag:$0x3], $0x10, s3, s9, $0xb8;
	[tilespmem:$0x2200] =	vst v63  }
0x2d: {  	_ = 	snop  }
0x2e: {  	[hbm4b:s2+s9] =	stream.indirect.scatter [tilespmem:s10], [sflag:$0x3], $0x10, s9, s9, $0xb8;
	[tilespmem:$0x2200] =	vst v63  }
0x2f: {  	_ = 	snop  }
0x30: {  	[hbm4b:s2+s9] =	stream.indirect.scatter [tilespmem:s12], [sflag:$0x3], $0x10, s11, s9, $0xb8;
	[tilespmem:$0x2200] =	vst v63  }
0x31: {  	_ = 	snop  }
0x32: {  	[hbm4b:s2+s9] =	stream.indirect.scatter [tilespmem:s15], [sflag:$0x3], $0x10, s13, s9, $0xb8;
	[tilespmem:$0x2200] =	vst v63  }
0x33: {  	_ =	swait.ge [sflag:s14], $0x800  }
0x34: {  	[sflag:s14] =	ssyncset.done $0x0  }
0x35: {  	[sflag:s14] =	ssyncadd.s32 $0xFFFFF800  }
0x36: {  	_ =	swait.ge [sflag:s14], $0x800  }
0x37: {  	[sflag:s14] =	ssyncset.done $0x0  }
0x38: {  	[sflag:s14] =	ssyncadd.s32 $0xFFFFF800  }
.Ltmp1:
0x39: {  	_ =	swait.ge [sflag:s14], $0x800;
	(pc) =	sbr.rel @p0 .LBB2_1-.Ltmp1, $4  }
0x3a: {  	[sflag:s14] =	ssyncset.done $0x0  }
0x3b: {  	[sflag:s14] =	ssyncadd.s32 $0xFFFFF800  }
0x3c: {  	_ =	swait.ge [sflag:s14], $0x800  }
0x3d: {  	[sflag:s14] =	ssyncset.done $0x0  }
.LBB2_2:
0x3e: {  	[sflag:s14] =	ssyncadd.s32 $0xFFFFF800  }
0x3f: {  	_ =	sfence.sel $0x180000  }
0x40: {  	[bflag:$0x0] =	sbarrier.arrive $0xFFFF  }
0x41: {  	p0 =	sne.s32 s0, $0x0;
	_ =	strace $0x90000047  }
0x42: {  	s0 =	sadd.s32 @!p0 $0x100000, s1;
	[bflag:$0x2] =	sbarrier.arrive $0xFFFF  }
0x43: {  	[sflag:s0] =	ssyncadd.tile.s32 @!p0 $0x1;
	_ =	shalt  }
.Lfunc_end2:
_tile_overlayer_lowered:
.L_overlay_start_2:
0x44: {  	(tag) =	ssettag $0x2  }
0x45: {  	s0 =	rddreg [dreg:$0x0];
	s2 =	stileid.u32  }
0x46: {  	s1 =	rddreg [dreg:$0x1];
	p0 =	sne.s32 s2, $0x0  }
0x47: {  	s3 =	rddreg [dreg:$0x2];
	[bflag:$0x3] =	sbarrier.arrive $0xFFFF;
	s2 =	simm.s32 @!p0 $0x1C04  }
0x48: {  	[timem:s3], [sflag:s2] =	dma.local @!p0 [hbm:s0], s1  }
0x49: {  	s0 =	simm.s32 @!p0 $0x4  }
0x4a: {  	_ =	swait.ge @!p0 [sflag:s0], s1  }
0x4b: {  	s1 =	ssub.s32 @!p0 $0x0, s1;
	[sflag:s0] =	ssyncset.done @!p0 $0x0  }
0x4c: {  	[sflag:s0] =	ssyncadd.s32 @!p0 s1  }
0x4d: {  	[bflag:$0x3] =	sbarrier.arrive $0xFFFF  }
0x4e: {  	_ =	shalt  }

</sc_bundles>
